<compile_context>
chip_gen: v7x
topology: tpu7x:2x2x1
jax: 0.10.2.dev20260603
libtpu: 0.0.44.dev20260713+nightly
codegen_flags: <defaults>
</compile_context>

<pallas_src>
import functools

import jax
import jax.numpy as jnp
from jax import lax
from jax.experimental import pallas as pl
from jax.experimental.pallas import tpu as pltpu
from jax.experimental.pallas import tpu_sc as plsc

N = 10000
D_IN = 128
HID = 64
OUT = 64
E = 320000
NS = 1000

NP = 10112
ROW = 128
CH = 128
NWORK = 32
CPW = 79
EPW = CPW * CH
EPAD = EPW * NWORK
NSP = 1024
SPW = NSP // NWORK



def _proj_body(x_ref, w_ref, ai_ref, aj_ref, b_ref, tab_ref):
    h = jnp.dot(x_ref[...], w_ref[...], preferred_element_type=jnp.float32)
    ai = jnp.dot(h, ai_ref[...], preferred_element_type=jnp.float32)
    aj = jnp.dot(h, aj_ref[...], preferred_element_type=jnp.float32) + b_ref[0, 0]
    z8 = jnp.zeros_like(ai)
    z40 = jnp.zeros((h.shape[0], 40), jnp.float32)
    tab_ref[...] = jnp.concatenate([h, ai, z8, aj, z40], axis=1)


def _proj(x, W, Ai, Aj, b):
    blk = 2528
    din = x.shape[1]
    return pl.pallas_call(
        _proj_body,
        grid=(NP // blk,),
        in_specs=[
            pl.BlockSpec((blk, din), lambda i: (i, 0)),
            pl.BlockSpec((din, HID), lambda i: (0, 0)),
            pl.BlockSpec((HID, 8), lambda i: (0, 0)),
            pl.BlockSpec((HID, 8), lambda i: (0, 0)),
            pl.BlockSpec(memory_space=pltpu.SMEM),
        ],
        out_specs=pl.BlockSpec((blk, ROW), lambda i: (i, 0)),
        out_shape=jax.ShapeDtypeStruct((NP, ROW), jnp.float32),
    )(x, W, Ai, Aj, b)


def _fin_body(h_heads, out_w, p0_ref, p1_ref, tab_ref, rep_ref, o_ref):
    h = tab_ref[:, 0:64]
    t = tab_ref[:, 64:64 + h_heads] + tab_ref[:, 80:80 + h_heads]
    ws = jnp.exp(jnp.maximum(t, 0.2 * t))
    num = p0_ref[:, 0:64] + p1_ref[:, 0:64]
    den = p0_ref[:, 64:64 + h_heads] + p1_ref[:, 64:64 + h_heads] + ws
    rep = rep_ref[...]
    wsr = jnp.dot(ws, rep, preferred_element_type=jnp.float32)
    denr = jnp.dot(den, rep, preferred_element_type=jnp.float32)
    out = (num + h * wsr) / denr
    if out_w > 64:
        out = jnp.concatenate(
            [out, jnp.zeros((out.shape[0], out_w - 64), jnp.float32)], axis=1)
    o_ref[...] = out


def _fin_relu_body(h_heads, out_w, p0_ref, p1_ref, tab_ref, rep_ref, o_ref):
    _fin_body(h_heads, out_w, p0_ref, p1_ref, tab_ref, rep_ref, o_ref)
    o_ref[...] = jnp.maximum(o_ref[...], 0.0)


def _finalize(p0, p1, tab, rep, h_heads, relu, out_w):
    blk = 2528
    body = _fin_relu_body if relu else _fin_body
    return pl.pallas_call(
        functools.partial(body, h_heads, out_w),
        grid=(NP // blk,),
        in_specs=[
            pl.BlockSpec((blk, ROW), lambda i: (i, 0)),
            pl.BlockSpec((blk, ROW), lambda i: (i, 0)),
            pl.BlockSpec((blk, ROW), lambda i: (i, 0)),
            pl.BlockSpec((h_heads, 64), lambda i: (0, 0)),
        ],
        out_specs=pl.BlockSpec((blk, out_w), lambda i: (i, 0)),
        out_shape=jax.ShapeDtypeStruct((NP, out_w), jnp.float32),
    )(p0, p1, tab, rep)


def _loss_body(sup_ref, lab_ref, o_ref):
    sup = sup_ref[:, 0:OUT]
    m = jnp.max(sup, axis=1, keepdims=True)
    lse = jnp.log(jnp.sum(jnp.exp(sup - m), axis=1, keepdims=True)) + m
    lab = lab_ref[...]
    onehot = lax.broadcasted_iota(jnp.int32, (NSP, OUT), 1) == lab
    picked = jnp.sum(jnp.where(onehot, sup, 0.0), axis=1, keepdims=True)
    logp = picked - lse
    valid = lax.broadcasted_iota(jnp.int32, (NSP, 1), 0) < NS
    o_ref[0, 0] = -jnp.sum(jnp.where(valid, logp, 0.0)) / NS


def _loss(sup, labels2d):
    return pl.pallas_call(
        _loss_body,
        in_specs=[
            pl.BlockSpec((NSP, ROW), lambda: (0, 0)),
            pl.BlockSpec((NSP, 1), lambda: (0, 0)),
        ],
        out_specs=pl.BlockSpec(memory_space=pltpu.SMEM),
        out_shape=jax.ShapeDtypeStruct((1, 1), jnp.float32),
    )(sup, labels2d)


def _finproj_body(w_ref, ai_ref, aj_ref, b_ref,
                  p0_ref, p1_ref, tab_ref, rep_ref, tab2_ref):
    h = tab_ref[:, 0:64]
    t = tab_ref[:, 64:72] + tab_ref[:, 80:88]
    ws = jnp.exp(jnp.maximum(t, 0.2 * t))
    num = p0_ref[:, 0:64] + p1_ref[:, 0:64]
    den = p0_ref[:, 64:72] + p1_ref[:, 64:72] + ws
    rep = rep_ref[...]
    wsr = jnp.dot(ws, rep, preferred_element_type=jnp.float32)
    denr = jnp.dot(den, rep, preferred_element_type=jnp.float32)
    h2 = jnp.maximum((num + h * wsr) / denr, 0.0)
    g = jnp.dot(h2, w_ref[...], preferred_element_type=jnp.float32)
    ai = jnp.dot(g, ai_ref[...], preferred_element_type=jnp.float32)
    aj = jnp.dot(g, aj_ref[...], preferred_element_type=jnp.float32) + b_ref[0, 0]
    z8 = jnp.zeros_like(ai)
    z40 = jnp.zeros((g.shape[0], 40), jnp.float32)
    tab2_ref[...] = jnp.concatenate([g, ai, z8, aj, z40], axis=1)


def _finproj(p0, p1, tab, rep, W, Ai, Aj, b):
    blk = 2528
    return pl.pallas_call(
        _finproj_body,
        grid=(NP // blk,),
        in_specs=[
            pl.BlockSpec((HID, HID), lambda i: (0, 0)),
            pl.BlockSpec((HID, 8), lambda i: (0, 0)),
            pl.BlockSpec((HID, 8), lambda i: (0, 0)),
            pl.BlockSpec(memory_space=pltpu.SMEM),
            pl.BlockSpec((blk, ROW), lambda i: (i, 0)),
            pl.BlockSpec((blk, ROW), lambda i: (i, 0)),
            pl.BlockSpec((blk, ROW), lambda i: (i, 0)),
            pl.BlockSpec((8, 64), lambda i: (0, 0)),
        ],
        out_specs=pl.BlockSpec((blk, ROW), lambda i: (i, 0)),
        out_shape=jax.ShapeDtypeStruct((NP, ROW), jnp.float32),
    )(W, Ai, Aj, b, p0, p1, tab, rep)



def _gather1d(vec, idx):
    return lax.gather(
        vec, idx[:, None],
        lax.GatherDimensionNumbers(offset_dims=(), collapsed_slice_dims=(0,),
                                   start_index_map=(0,)),
        (1,), mode=lax.GatherScatterMode.PROMISE_IN_BOUNDS)


def _edge_kernel(h_heads, tab, src, dst):
    mesh = plsc.VectorSubcoreMesh(core_axis_name="c", subcore_axis_name="s")

    @functools.partial(
        pl.kernel, mesh=mesh,
        out_type=jax.ShapeDtypeStruct((2, NP, ROW), jnp.float32),
        scratch_types=[
            pltpu.VMEM((CH,), jnp.int32),
            pltpu.VMEM((CH,), jnp.int32),
            pltpu.VMEM((CH, ROW), jnp.float32),
            pltpu.VMEM((CH, ROW), jnp.float32),
            pltpu.VMEM((CH, ROW), jnp.float32),
            pltpu.VMEM_SHARED((NP, ROW), jnp.float32),
            pltpu.SemaphoreType.DMA,
            pltpu.SemaphoreType.DMA,
        ],
    )
    def k(tab_hbm, src_hbm, dst_hbm, out_hbm,
          sidx, didx, rows, drows, msg, acc, sem_g, sem_a):
        c = lax.axis_index("c")
        s = lax.axis_index("s")
        wid = c * 16 + s
        base = wid * EPW

        def zrow(i, carry):
            for kk in range(ROW // 16):
                msg[i, pl.ds(16 * kk, 16)] = jnp.zeros((16,), jnp.float32)
            return carry
        lax.fori_loop(0, CH, zrow, 0)
        rpt = NP // 16
        for i in range(rpt // CH):
            pltpu.sync_copy(msg, acc.at[pl.ds(s * rpt + i * CH, CH)])
        tail = rpt % CH
        if tail:
            pltpu.sync_copy(msg.at[pl.ds(0, tail)],
                            acc.at[pl.ds(s * rpt + (rpt // CH) * CH, tail)])
        plsc.subcore_barrier()

        lane = lax.iota(jnp.int32, 16)
        if h_heads == 8:
            pats = [(lane + 16 * kk) >> 3 for kk in range(4)]
        else:
            pats = [lane * 0 for _ in range(4)]

        def chunk(j, carry):
            off = base + j * CH
            pltpu.sync_copy(src_hbm.at[pl.ds(off, CH)], sidx)
            pltpu.sync_copy(dst_hbm.at[pl.ds(off, CH)], didx)
            cg = pltpu.async_copy(tab_hbm.at[sidx], rows, sem_g)
            ca = pltpu.async_copy(tab_hbm.at[didx], drows, sem_a)
            cg.wait()
            ca.wait()

            def edge(e, cc):
                ai = rows[e, pl.ds(64, 16)]
                aj = drows[e, pl.ds(80, 16)]
                t = ai + aj
                w = jnp.exp(jnp.maximum(t, 0.2 * t))
                for kk in range(4):
                    wb = _gather1d(w, pats[kk])
                    msg[e, pl.ds(16 * kk, 16)] = rows[e, pl.ds(16 * kk, 16)] * wb
                msg[e, pl.ds(64, 16)] = w
                return cc
            lax.fori_loop(0, CH, edge, 0)

            pltpu.sync_copy(msg, acc.at[didx], add=True)
            return carry
        lax.fori_loop(0, CPW, chunk, 0)
        plsc.subcore_barrier()

        for i in range(rpt // CH):
            r0 = s * rpt + i * CH
            pltpu.sync_copy(acc.at[pl.ds(r0, CH)], out_hbm.at[c, pl.ds(r0, CH)])
        if tail:
            r0 = s * rpt + (rpt // CH) * CH
            pltpu.sync_copy(acc.at[pl.ds(r0, tail)], out_hbm.at[c, pl.ds(r0, tail)])

    return k(tab, src, dst)


def _sup_gather(logits_p, sup_idx):
    mesh = plsc.VectorSubcoreMesh(core_axis_name="c", subcore_axis_name="s")

    @functools.partial(
        pl.kernel, mesh=mesh,
        out_type=jax.ShapeDtypeStruct((NSP, ROW), jnp.float32),
        scratch_types=[
            pltpu.VMEM((SPW,), jnp.int32),
            pltpu.VMEM((SPW, ROW), jnp.float32),
            pltpu.SemaphoreType.DMA,
        ],
    )
    def k(tab_hbm, idx_hbm, out_hbm, idxv, rowsv, sem):
        wid = lax.axis_index("c") * 16 + lax.axis_index("s")
        base = wid * SPW
        pltpu.sync_copy(idx_hbm.at[pl.ds(base, SPW)], idxv)
        pltpu.async_copy(tab_hbm.at[idxv], rowsv, sem).wait()
        pltpu.sync_copy(rowsv, out_hbm.at[pl.ds(base, SPW)])

    return k(logits_p, sup_idx)



def _head_mats(aw, hid, heads):
    dh = hid // heads
    Ai = jnp.zeros((hid, 8), jnp.float32)
    Aj = jnp.zeros((hid, 8), jnp.float32)
    for hh in range(heads):
        Ai = Ai.at[hh * dh:(hh + 1) * dh, hh].set(aw[:dh, 0])
        Aj = Aj.at[hh * dh:(hh + 1) * dh, hh].set(aw[dh:2 * dh, 0])
    return Ai, Aj


def _rep_mat(heads):
    rep = jnp.zeros((heads, 64), jnp.float32)
    dh = 64 // heads
    for hh in range(heads):
        rep = rep.at[hh, hh * dh:(hh + 1) * dh].set(1.0)
    return rep


def kernel(x, edge_index, supervised_nodes, labels, W1, a1_w, a1_b, W2, a2_w, a2_b):
    xp = jnp.zeros((NP, D_IN), jnp.float32).at[:N].set(x)
    padE = jnp.full((EPAD - E,), N, jnp.int32)
    srcp = jnp.concatenate([edge_index[0], padE])
    dstp = jnp.concatenate([edge_index[1], padE])
    supp = jnp.concatenate([supervised_nodes, jnp.zeros((NSP - NS,), jnp.int32)])
    lab2d = jnp.zeros((NSP, 1), jnp.int32).at[:NS, 0].set(labels)

    Ai1, Aj1 = _head_mats(a1_w, HID, 8)
    Ai2, Aj2 = _head_mats(a2_w, HID, 1)
    rep1 = _rep_mat(8)
    rep2 = _rep_mat(1)
    b1 = a1_b.reshape(1, 1)
    b2 = a2_b.reshape(1, 1)

    tab1 = _proj(xp, W1, Ai1, Aj1, b1)
    p1 = _edge_kernel(8, tab1, srcp, dstp)
    tab2 = _finproj(p1[0], p1[1], tab1, rep1, W2, Ai2, Aj2, b2)
    p2 = _edge_kernel(1, tab2, srcp, dstp)
    logits_p = _finalize(p2[0], p2[1], tab2, rep2, 1, relu=False, out_w=ROW)

    sup = _sup_gather(logits_p, supp)
    loss = _loss(sup, lab2d)[0, 0]
    return logits_p[:N, :OUT], loss

# --- scband reference (transcript-rebuilt; emitter-appended) ---
"""Pipeline reference for scband-gat-39049842655814 (READ-ONLY COPY).

The authoritative reference and input builder live on the scoring server;
editing this copy changes nothing except your own understanding.
"""

import jax, jax.numpy as jnp
import numpy as np

N = 10000
E = 320000
D_IN = 128
HID = 64
OUT = 64
NS = 1000


def setup_inputs(seed: int = 0) -> dict:
    key = jax.random.key(seed)
    ks = jax.random.split(key, 10)
    x = jax.random.normal(ks[0], (N, D_IN), dtype=jnp.float32)
    edge_index = jax.random.randint(ks[1], (2, E), 0, N, dtype=jnp.int32)
    supervised_nodes = jax.random.randint(ks[2], (NS,), 0, N, dtype=jnp.int32)
    labels = jax.random.randint(ks[3], (NS,), 0, OUT, dtype=jnp.int32)
    W1 = 0.05 * jax.random.normal(ks[4], (D_IN, HID), dtype=jnp.float32)
    a1_w = 0.05 * jax.random.normal(ks[5], (2 * HID // 8, 1), dtype=jnp.float32)
    a1_b = jnp.zeros((1,), dtype=jnp.float32)
    W2 = 0.05 * jax.random.normal(ks[6], (HID, OUT), dtype=jnp.float32)
    a2_w = 0.05 * jax.random.normal(ks[7], (2 * OUT, 1), dtype=jnp.float32)
    a2_b = jnp.zeros((1,), dtype=jnp.float32)
    return {"x": x, "edge_index": edge_index, "supervised_nodes": supervised_nodes,
            "labels": labels, "W1": W1, "a1_w": a1_w, "a1_b": a1_b,
            "W2": W2, "a2_w": a2_w, "a2_b": a2_b}


def gat_layer(x, edge_index, W, aw, ab, num_heads, out_dim, fusion):
    n = x.shape[0]
    self_conn = jnp.stack([jnp.arange(n, dtype=edge_index.dtype),
                           jnp.arange(n, dtype=edge_index.dtype)], axis=0)
    ei = jnp.concatenate([edge_index, self_conn], axis=-1)
    h = (x @ W).reshape(-1, num_heads, out_dim // num_heads)
    x_i = jnp.take(h, ei[0], axis=0)
    x_j = jnp.take(h, ei[1], axis=0)
    x_ij = jnp.concatenate([x_i, x_j], axis=-1)
    att_score = x_ij @ aw + ab  # [E', H, 1]
    att_score = jax.nn.leaky_relu(att_score, negative_slope=0.2)
    att_weight = jax.nn.softmax(att_score, axis=0)
    exp_s = jnp.exp(att_score)
    att_score_exp_sum = exp_s.sum(axis=0, keepdims=True)
    node_re_coef = jax.ops.segment_sum(exp_s, ei[1], num_segments=n)
    att_re = att_weight * att_score_exp_sum / jnp.take(node_re_coef, ei[1], axis=0)
    x_i = x_i * att_re
    out = jax.ops.segment_sum(x_i, ei[1], num_segments=n)
    if fusion == 'cat':
        out = out.reshape(-1, out_dim)
    else:
        out = out.mean(axis=1)
    return out


def reference(x, edge_index, supervised_nodes, labels, W1, a1_w, a1_b, W2, a2_w, a2_b):
    # dropout layers are identity in eval mode
    h = gat_layer(x, edge_index, W1, a1_w, a1_b, 8, HID, 'cat')
    h = jax.nn.relu(h)
    logits = gat_layer(h, edge_index, W2, a2_w, a2_b, 1, OUT, 'mean')
    sup_logits = jnp.take(logits, supervised_nodes, axis=0)
    logp = jax.nn.log_softmax(sup_logits, axis=-1)
    loss = -jnp.mean(jnp.take_along_axis(logp, labels[:, None], axis=1))
    return (logits, loss)

if __name__ == "__main__":
    import jax
    _d = setup_inputs()
    print(jax.jit(kernel)(*tuple(_d.values())))

</pallas_src>

<mosaic_0001>
#map = affine_map<(d0, d1) -> (0, 0)>
#map1 = affine_map<(d0, d1) -> (0)>
module attributes {stable_mosaic.version = 14 : i64} {
  func.func @k(%arg0: i32, %arg1: i32, %arg2: memref<10112x128xf32, #tpu.memory_space<hbm>>, %arg3: memref<1024xi32, #tpu.memory_space<hbm>>, %arg4: memref<1024x128xf32, #tpu.memory_space<hbm>>, %arg5: memref<32xi32, #tpu.memory_space<vmem>>, %arg6: memref<32x128xf32, #tpu.memory_space<vmem>>, %arg7: memref<!tpu.dma_semaphore, #tpu.memory_space<semaphore_mem>>) attributes {dimension_semantics = [#tpu.dimension_semantics<core_parallel>, #tpu.dimension_semantics<subcore_parallel>], iteration_bounds = array<i64: 2, 16>, scalar_prefetch = 0 : i64, scratch_operands = 3 : i64, tpu.core_type = #tpu.core_type<sc_vector_subcore>, window_params = [{transform_indices = #map}, {transform_indices = #map1}, {transform_indices = #map}]} {
    %mul3A = arith.constant 16 : i32
    %mul3A_0 = arith.muli %arg0, %mul3A : i32
    %add3A = arith.addi %mul3A_0, %arg1 : i32
    %mul3A_1 = arith.constant 32 : i32
    %mul3A_2 = arith.muli %add3A, %mul3A_1 : i32
    "tpu.region"() ({
      %run_scoped3A = tpu.sem_alloc : memref<!tpu.dma_semaphore, #tpu.memory_space<semaphore_mem>>
      %dma_start3A_7 = tpu.memref_slice %arg3[%mul3A_2] : memref<1024xi32, #tpu.memory_space<hbm>> -> memref<32xi32, #tpu.memory_space<hbm>>
      %dma_start3A_8 = tpu.memref_slice %arg3[%mul3A_2] : memref<1024xi32, #tpu.memory_space<hbm>> -> memref<32xi32, #tpu.memory_space<hbm>>
      tpu.enqueue_dma source(%dma_start3A_8 : memref<32xi32, #tpu.memory_space<hbm>>) target(%arg5 : memref<32xi32, #tpu.memory_space<vmem>>) target_semaphore(%run_scoped3A : memref<!tpu.dma_semaphore, #tpu.memory_space<semaphore_mem>>)
      %dma_wait3A_9 = tpu.memref_slice %arg3[%mul3A_2] : memref<1024xi32, #tpu.memory_space<hbm>> -> memref<32xi32, #tpu.memory_space<hbm>>
      %dma_wait3A_10 = tpu.memref_slice %arg3[%mul3A_2] : memref<1024xi32, #tpu.memory_space<hbm>> -> memref<32xi32, #tpu.memory_space<hbm>>
      tpu.wait_dma2 semaphore(%run_scoped3A : memref<!tpu.dma_semaphore, #tpu.memory_space<semaphore_mem>>) src(%dma_wait3A_10 : memref<32xi32, #tpu.memory_space<hbm>>) dst(%arg5 : memref<32xi32, #tpu.memory_space<vmem>>)
      tpu.yield
    }) : () -> ()
    %dma_start3A = arith.constant 0 : i32
    %dma_start3A_3 = arith.constant 0 : i32
    %dma_start3A_4 = tpu.memref_slice %arg2[%dma_start3A, %dma_start3A_3] : memref<10112x128xf32, #tpu.memory_space<hbm>> -> memref<10112x128xf32, #tpu.memory_space<hbm>>
    tpu.enqueue_indirect_dma source(%dma_start3A_4 : memref<10112x128xf32, #tpu.memory_space<hbm>>) target(%arg6 : memref<32x128xf32, #tpu.memory_space<vmem>>) offsets(%arg5 : memref<32xi32, #tpu.memory_space<vmem>>) semaphore(%arg7 : memref<!tpu.dma_semaphore, #tpu.memory_space<semaphore_mem>>)
    %dma_wait3A = arith.constant 0 : i32
    %dma_wait3A_5 = arith.constant 0 : i32
    %dma_wait3A_6 = tpu.memref_slice %arg2[%dma_wait3A, %dma_wait3A_5] : memref<10112x128xf32, #tpu.memory_space<hbm>> -> memref<10112x128xf32, #tpu.memory_space<hbm>>
    tpu.wait_indirect_dma semaphore(%arg7 : memref<!tpu.dma_semaphore, #tpu.memory_space<semaphore_mem>>) src(%dma_wait3A_6 : memref<10112x128xf32, #tpu.memory_space<hbm>>) dst(%arg6 : memref<32x128xf32, #tpu.memory_space<vmem>>)
    "tpu.region"() ({
      %run_scoped3A = tpu.sem_alloc : memref<!tpu.dma_semaphore, #tpu.memory_space<semaphore_mem>>
      %dma_start3A_7 = arith.constant 0 : i32
      %dma_start3A_8 = tpu.memref_slice %arg4[%mul3A_2, %dma_start3A_7] : memref<1024x128xf32, #tpu.memory_space<hbm>> -> memref<32x128xf32, #tpu.memory_space<hbm>>
      %dma_start3A_9 = arith.constant 0 : i32
      %dma_start3A_10 = tpu.memref_slice %arg4[%mul3A_2, %dma_start3A_9] : memref<1024x128xf32, #tpu.memory_space<hbm>> -> memref<32x128xf32, #tpu.memory_space<hbm>>
      tpu.enqueue_dma source(%arg6 : memref<32x128xf32, #tpu.memory_space<vmem>>) target(%dma_start3A_10 : memref<32x128xf32, #tpu.memory_space<hbm>>) target_semaphore(%run_scoped3A : memref<!tpu.dma_semaphore, #tpu.memory_space<semaphore_mem>>)
      %dma_wait3A_11 = arith.constant 0 : i32
      %dma_wait3A_12 = tpu.memref_slice %arg4[%mul3A_2, %dma_wait3A_11] : memref<1024x128xf32, #tpu.memory_space<hbm>> -> memref<32x128xf32, #tpu.memory_space<hbm>>
      %dma_wait3A_13 = arith.constant 0 : i32
      %dma_wait3A_14 = tpu.memref_slice %arg4[%mul3A_2, %dma_wait3A_13] : memref<1024x128xf32, #tpu.memory_space<hbm>> -> memref<32x128xf32, #tpu.memory_space<hbm>>
      tpu.wait_dma2 semaphore(%run_scoped3A : memref<!tpu.dma_semaphore, #tpu.memory_space<semaphore_mem>>) src(%arg6 : memref<32x128xf32, #tpu.memory_space<vmem>>) dst(%dma_wait3A_14 : memref<32x128xf32, #tpu.memory_space<hbm>>)
      tpu.yield
    }) : () -> ()
    return
  }
}

#map = affine_map<(d0, d1) -> (0, 0)>
#map1 = affine_map<(d0, d1) -> (0)>
#map2 = affine_map<(d0, d1) -> (0, 0, 0)>
module attributes {stable_mosaic.version = 14 : i64} {
  func.func @k(%arg0: i32, %arg1: i32, %arg2: memref<10112x128xf32, #tpu.memory_space<hbm>>, %arg3: memref<323584xi32, #tpu.memory_space<hbm>>, %arg4: memref<323584xi32, #tpu.memory_space<hbm>>, %arg5: memref<2x10112x128xf32, #tpu.memory_space<hbm>>, %arg6: memref<128xi32, #tpu.memory_space<vmem>>, %arg7: memref<128xi32, #tpu.memory_space<vmem>>, %arg8: memref<128x128xf32, #tpu.memory_space<vmem>>, %arg9: memref<128x128xf32, #tpu.memory_space<vmem>>, %arg10: memref<128x128xf32, #tpu.memory_space<vmem>>, %arg11: memref<10112x128xf32, #tpu.memory_space<vmem_shared>>, %arg12: memref<!tpu.dma_semaphore, #tpu.memory_space<semaphore_mem>>, %arg13: memref<!tpu.dma_semaphore, #tpu.memory_space<semaphore_mem>>) attributes {dimension_semantics = [#tpu.dimension_semantics<core_parallel>, #tpu.dimension_semantics<subcore_parallel>], iteration_bounds = array<i64: 2, 16>, scalar_prefetch = 0 : i64, scratch_operands = 8 : i64, tpu.core_type = #tpu.core_type<sc_vector_subcore>, window_params = [{transform_indices = #map}, {transform_indices = #map1}, {transform_indices = #map1}, {transform_indices = #map2}]} {
    %mul3A = arith.constant 16 : i32
    %mul3A_0 = arith.muli %arg0, %mul3A : i32
    %add3A = arith.addi %mul3A_0, %arg1 : i32
    %mul3A_1 = arith.constant 10112 : i32
    %mul3A_2 = arith.muli %add3A, %mul3A_1 : i32
    %scan3A = arith.constant 0 : i32
    %scan3A_3 = arith.constant 0 : i32
    %scan3A_4 = arith.constant 128 : i32
    %scan3A_5 = arith.addi %scan3A_3, %scan3A_4 : i32
    %scan3A_6 = arith.constant 1 : i32
    scf.for %scan3A_67 = %scan3A_3 to %scan3A_5 step %scan3A_6  : i32 {
      %broadcast_in_dim3A = arith.constant 0.000000e+00 : f32
      %broadcast_in_dim3A_68 = vector.broadcast %broadcast_in_dim3A : f32 to vector<16xf32>
      %swap3A = arith.index_cast %scan3A_67 : i32 to index
      %swap3A_69 = arith.constant 0 : index
      %swap3A_70 = tpu.vector_load %arg10[%swap3A, %swap3A_69] {strides = array<i32>} : memref<128x128xf32, #tpu.memory_space<vmem>>, vector<1x16xf32>,
      %swap3A_71 = vector.shape_cast %swap3A_70 : vector<1x16xf32> to vector<16xf32>
      %swap3A_72 = vector.shape_cast %broadcast_in_dim3A_68 : vector<16xf32> to vector<1x16xf32>
      tpu.vector_store %arg10[%swap3A, %swap3A_69], %swap3A_72 {strides = array<i32>} : memref<128x128xf32, #tpu.memory_space<vmem>>, vector<1x16xf32>,
      %broadcast_in_dim3A_73 = arith.constant 0.000000e+00 : f32
      %broadcast_in_dim3A_74 = vector.broadcast %broadcast_in_dim3A_73 : f32 to vector<16xf32>
      %swap3A_75 = arith.index_cast %scan3A_67 : i32 to index
      %swap3A_76 = arith.constant 16 : index
      %swap3A_77 = tpu.vector_load %arg10[%swap3A_75, %swap3A_76] {strides = array<i32>} : memref<128x128xf32, #tpu.memory_space<vmem>>, vector<1x16xf32>,
      %swap3A_78 = vector.shape_cast %swap3A_77 : vector<1x16xf32> to vector<16xf32>
      %swap3A_79 = vector.shape_cast %broadcast_in_dim3A_74 : vector<16xf32> to vector<1x16xf32>
      tpu.vector_store %arg10[%swap3A_75, %swap3A_76], %swap3A_79 {strides = array<i32>} : memref<128x128xf32, #tpu.memory_space<vmem>>, vector<1x16xf32>,
      %broadcast_in_dim3A_80 = arith.constant 0.000000e+00 : f32
      %broadcast_in_dim3A_81 = vector.broadcast %broadcast_in_dim3A_80 : f32 to vector<16xf32>
      %swap3A_82 = arith.index_cast %scan3A_67 : i32 to index
      %swap3A_83 = arith.constant 32 : index
      %swap3A_84 = tpu.vector_load %arg10[%swap3A_82, %swap3A_83] {strides = array<i32>} : memref<128x128xf32, #tpu.memory_space<vmem>>, vector<1x16xf32>,
      %swap3A_85 = vector.shape_cast %swap3A_84 : vector<1x16xf32> to vector<16xf32>
      %swap3A_86 = vector.shape_cast %broadcast_in_dim3A_81 : vector<16xf32> to vector<1x16xf32>
      tpu.vector_store %arg10[%swap3A_82, %swap3A_83], %swap3A_86 {strides = array<i32>} : memref<128x128xf32, #tpu.memory_space<vmem>>, vector<1x16xf32>,
      %broadcast_in_dim3A_87 = arith.constant 0.000000e+00 : f32
      %broadcast_in_dim3A_88 = vector.broadcast %broadcast_in_dim3A_87 : f32 to vector<16xf32>
      %swap3A_89 = arith.index_cast %scan3A_67 : i32 to index
      %swap3A_90 = arith.constant 48 : index
      %swap3A_91 = tpu.vector_load %arg10[%swap3A_89, %swap3A_90] {strides = array<i32>} : memref<128x128xf32, #tpu.memory_space<vmem>>, vector<1x16xf32>,
      %swap3A_92 = vector.shape_cast %swap3A_91 : vector<1x16xf32> to vector<16xf32>
      %swap3A_93 = vector.shape_cast %broadcast_in_dim3A_88 : vector<16xf32> to vector<1x16xf32>
      tpu.vector_store %arg10[%swap3A_89, %swap3A_90], %swap3A_93 {strides = array<i32>} : memref<128x128xf32, #tpu.memory_space<vmem>>, vector<1x16xf32>,
      %broadcast_in_dim3A_94 = arith.constant 0.000000e+00 : f32
      %broadcast_in_dim3A_95 = vector.broadcast %broadcast_in_dim3A_94 : f32 to vector<16xf32>
      %swap3A_96 = arith.index_cast %scan3A_67 : i32 to index
      %swap3A_97 = arith.constant 64 : index
      %swap3A_98 = tpu.vector_load %arg10[%swap3A_96, %swap3A_97] {strides = array<i32>} : memref<128x128xf32, #tpu.memory_space<vmem>>, vector<1x16xf32>,
      %swap3A_99 = vector.shape_cast %swap3A_98 : vector<1x16xf32> to vector<16xf32>
      %swap3A_100 = vector.shape_cast %broadcast_in_dim3A_95 : vector<16xf32> to vector<1x16xf32>
      tpu.vector_store %arg10[%swap3A_96, %swap3A_97], %swap3A_100 {strides = array<i32>} : memref<128x128xf32, #tpu.memory_space<vmem>>, vector<1x16xf32>,
      %broadcast_in_dim3A_101 = arith.constant 0.000000e+00 : f32
      %broadcast_in_dim3A_102 = vector.broadcast %broadcast_in_dim3A_101 : f32 to vector<16xf32>
      %swap3A_103 = arith.index_cast %scan3A_67 : i32 to index
      %swap3A_104 = arith.constant 80 : index
      %swap3A_105 = tpu.vector_load %arg10[%swap3A_103, %swap3A_104] {strides = array<i32>} : memref<128x128xf32, #tpu.memory_space<vmem>>, vector<1x16xf32>,
      %swap3A_106 = vector.shape_cast %swap3A_105 : vector<1x16xf32> to vector<16xf32>
      %swap3A_107 = vector.shape_cast %broadcast_in_dim3A_102 : vector<16xf32> to vector<1x16xf32>
      tpu.vector_store %arg10[%swap3A_103, %swap3A_104], %swap3A_107 {strides = array<i32>} : memref<128x128xf32, #tpu.memory_space<vmem>>, vector<1x16xf32>,
      %broadcast_in_dim3A_108 = arith.constant 0.000000e+00 : f32
      %broadcast_in_dim3A_109 = vector.broadcast %broadcast_in_dim3A_108 : f32 to vector<16xf32>
      %swap3A_110 = arith.index_cast %scan3A_67 : i32 to index
      %swap3A_111 = arith.constant 96 : index
      %swap3A_112 = tpu.vector_load %arg10[%swap3A_110, %swap3A_111] {strides = array<i32>} : memref<128x128xf32, #tpu.memory_space<vmem>>, vector<1x16xf32>,
      %swap3A_113 = vector.shape_cast %swap3A_112 : vector<1x16xf32> to vector<16xf32>
      %swap3A_114 = vector.shape_cast %broadcast_in_dim3A_109 : vector<16xf32> to vector<1x16xf32>
      tpu.vector_store %arg10[%swap3A_110, %swap3A_111], %swap3A_114 {strides = array<i32>} : memref<128x128xf32, #tpu.memory_space<vmem>>, vector<1x16xf32>,
      %broadcast_in_dim3A_115 = arith.constant 0.000000e+00 : f32
      %broadcast_in_dim3A_116 = vector.broadcast %broadcast_in_dim3A_115 : f32 to vector<16xf32>
      %swap3A_117 = arith.index_cast %scan3A_67 : i32 to index
      %swap3A_118 = arith.constant 112 : index
      %swap3A_119 = tpu.vector_load %arg10[%swap3A_117, %swap3A_118] {strides = array<i32>} : memref<128x128xf32, #tpu.memory_space<vmem>>, vector<1x16xf32>,
      %swap3A_120 = vector.shape_cast %swap3A_119 : vector<1x16xf32> to vector<16xf32>
      %swap3A_121 = vector.shape_cast %broadcast_in_dim3A_116 : vector<16xf32> to vector<1x16xf32>
      tpu.vector_store %arg10[%swap3A_117, %swap3A_118], %swap3A_121 {strides = array<i32>} : memref<128x128xf32, #tpu.memory_space<vmem>>, vector<1x16xf32>,
    }
    %scan3A_7 = arith.constant 128 : i32
    %mul3A_8 = arith.constant 632 : i32
    %mul3A_9 = arith.muli %arg1, %mul3A_8 : i32
    %add3A_10 = arith.constant 0 : i32
    %add3A_11 = arith.addi %mul3A_9, %add3A_10 : i32
    "tpu.region"() ({
      %run_scoped3A = tpu.sem_alloc : memref<!tpu.dma_semaphore, #tpu.memory_space<semaphore_mem>>
      %dma_start3A = arith.constant 0 : i32
      %dma_start3A_67 = tpu.memref_slice %arg11[%add3A_11, %dma_start3A] : memref<10112x128xf32, #tpu.memory_space<vmem_shared>> -> memref<128x128xf32, #tpu.memory_space<vmem_shared>>
      %dma_start3A_68 = arith.constant 0 : i32
      %dma_start3A_69 = tpu.memref_slice %arg11[%add3A_11, %dma_start3A_68] : memref<10112x128xf32, #tpu.memory_space<vmem_shared>> -> memref<128x128xf32, #tpu.memory_space<vmem_shared>>
      tpu.enqueue_dma source(%arg10 : memref<128x128xf32, #tpu.memory_space<vmem>>) target(%dma_start3A_69 : memref<128x128xf32, #tpu.memory_space<vmem_shared>>) target_semaphore(%run_scoped3A : memref<!tpu.dma_semaphore, #tpu.memory_space<semaphore_mem>>)
      %dma_wait3A = arith.constant 0 : i32
      %dma_wait3A_70 = tpu.memref_slice %arg11[%add3A_11, %dma_wait3A] : memref<10112x128xf32, #tpu.memory_space<vmem_shared>> -> memref<128x128xf32, #tpu.memory_space<vmem_shared>>
      %dma_wait3A_71 = arith.constant 0 : i32
      %dma_wait3A_72 = tpu.memref_slice %arg11[%add3A_11, %dma_wait3A_71] : memref<10112x128xf32, #tpu.memory_space<vmem_shared>> -> memref<128x128xf32, #tpu.memory_space<vmem_shared>>
      tpu.wait_dma2 semaphore(%run_scoped3A : memref<!tpu.dma_semaphore, #tpu.memory_space<semaphore_mem>>) src(%arg10 : memref<128x128xf32, #tpu.memory_space<vmem>>) dst(%dma_wait3A_72 : memref<128x128xf32, #tpu.memory_space<vmem_shared>>)
      tpu.yield
    }) : () -> ()
    %mul3A_12 = arith.constant 632 : i32
    %mul3A_13 = arith.muli %arg1, %mul3A_12 : i32
    %add3A_14 = arith.constant 128 : i32
    %add3A_15 = arith.addi %mul3A_13, %add3A_14 : i32
    "tpu.region"() ({
      %run_scoped3A = tpu.sem_alloc : memref<!tpu.dma_semaphore, #tpu.memory_space<semaphore_mem>>
      %dma_start3A = arith.constant 0 : i32
      %dma_start3A_67 = tpu.memref_slice %arg11[%add3A_15, %dma_start3A] : memref<10112x128xf32, #tpu.memory_space<vmem_shared>> -> memref<128x128xf32, #tpu.memory_space<vmem_shared>>
      %dma_start3A_68 = arith.constant 0 : i32
      %dma_start3A_69 = tpu.memref_slice %arg11[%add3A_15, %dma_start3A_68] : memref<10112x128xf32, #tpu.memory_space<vmem_shared>> -> memref<128x128xf32, #tpu.memory_space<vmem_shared>>
      tpu.enqueue_dma source(%arg10 : memref<128x128xf32, #tpu.memory_space<vmem>>) target(%dma_start3A_69 : memref<128x128xf32, #tpu.memory_space<vmem_shared>>) target_semaphore(%run_scoped3A : memref<!tpu.dma_semaphore, #tpu.memory_space<semaphore_mem>>)
      %dma_wait3A = arith.constant 0 : i32
      %dma_wait3A_70 = tpu.memref_slice %arg11[%add3A_15, %dma_wait3A] : memref<10112x128xf32, #tpu.memory_space<vmem_shared>> -> memref<128x128xf32, #tpu.memory_space<vmem_shared>>
      %dma_wait3A_71 = arith.constant 0 : i32
      %dma_wait3A_72 = tpu.memref_slice %arg11[%add3A_15, %dma_wait3A_71] : memref<10112x128xf32, #tpu.memory_space<vmem_shared>> -> memref<128x128xf32, #tpu.memory_space<vmem_shared>>
      tpu.wait_dma2 semaphore(%run_scoped3A : memref<!tpu.dma_semaphore, #tpu.memory_space<semaphore_mem>>) src(%arg10 : memref<128x128xf32, #tpu.memory_space<vmem>>) dst(%dma_wait3A_72 : memref<128x128xf32, #tpu.memory_space<vmem_shared>>)
      tpu.yield
    }) : () -> ()
    %mul3A_16 = arith.constant 632 : i32
    %mul3A_17 = arith.muli %arg1, %mul3A_16 : i32
    %add3A_18 = arith.constant 256 : i32
    %add3A_19 = arith.addi %mul3A_17, %add3A_18 : i32
    "tpu.region"() ({
      %run_scoped3A = tpu.sem_alloc : memref<!tpu.dma_semaphore, #tpu.memory_space<semaphore_mem>>
      %dma_start3A = arith.constant 0 : i32
      %dma_start3A_67 = tpu.memref_slice %arg11[%add3A_19, %dma_start3A] : memref<10112x128xf32, #tpu.memory_space<vmem_shared>> -> memref<128x128xf32, #tpu.memory_space<vmem_shared>>
      %dma_start3A_68 = arith.constant 0 : i32
      %dma_start3A_69 = tpu.memref_slice %arg11[%add3A_19, %dma_start3A_68] : memref<10112x128xf32, #tpu.memory_space<vmem_shared>> -> memref<128x128xf32, #tpu.memory_space<vmem_shared>>
      tpu.enqueue_dma source(%arg10 : memref<128x128xf32, #tpu.memory_space<vmem>>) target(%dma_start3A_69 : memref<128x128xf32, #tpu.memory_space<vmem_shared>>) target_semaphore(%run_scoped3A : memref<!tpu.dma_semaphore, #tpu.memory_space<semaphore_mem>>)
      %dma_wait3A = arith.constant 0 : i32
      %dma_wait3A_70 = tpu.memref_slice %arg11[%add3A_19, %dma_wait3A] : memref<10112x128xf32, #tpu.memory_space<vmem_shared>> -> memref<128x128xf32, #tpu.memory_space<vmem_shared>>
      %dma_wait3A_71 = arith.constant 0 : i32
      %dma_wait3A_72 = tpu.memref_slice %arg11[%add3A_19, %dma_wait3A_71] : memref<10112x128xf32, #tpu.memory_space<vmem_shared>> -> memref<128x128xf32, #tpu.memory_space<vmem_shared>>
      tpu.wait_dma2 semaphore(%run_scoped3A : memref<!tpu.dma_semaphore, #tpu.memory_space<semaphore_mem>>) src(%arg10 : memref<128x128xf32, #tpu.memory_space<vmem>>) dst(%dma_wait3A_72 : memref<128x128xf32, #tpu.memory_space<vmem_shared>>)
      tpu.yield
    }) : () -> ()
    %mul3A_20 = arith.constant 632 : i32
    %mul3A_21 = arith.muli %arg1, %mul3A_20 : i32
    %add3A_22 = arith.constant 384 : i32
    %add3A_23 = arith.addi %mul3A_21, %add3A_22 : i32
    "tpu.region"() ({
      %run_scoped3A = tpu.sem_alloc : memref<!tpu.dma_semaphore, #tpu.memory_space<semaphore_mem>>
      %dma_start3A = arith.constant 0 : i32
      %dma_start3A_67 = tpu.memref_slice %arg11[%add3A_23, %dma_start3A] : memref<10112x128xf32, #tpu.memory_space<vmem_shared>> -> memref<128x128xf32, #tpu.memory_space<vmem_shared>>
      %dma_start3A_68 = arith.constant 0 : i32
      %dma_start3A_69 = tpu.memref_slice %arg11[%add3A_23, %dma_start3A_68] : memref<10112x128xf32, #tpu.memory_space<vmem_shared>> -> memref<128x128xf32, #tpu.memory_space<vmem_shared>>
      tpu.enqueue_dma source(%arg10 : memref<128x128xf32, #tpu.memory_space<vmem>>) target(%dma_start3A_69 : memref<128x128xf32, #tpu.memory_space<vmem_shared>>) target_semaphore(%run_scoped3A : memref<!tpu.dma_semaphore, #tpu.memory_space<semaphore_mem>>)
      %dma_wait3A = arith.constant 0 : i32
      %dma_wait3A_70 = tpu.memref_slice %arg11[%add3A_23, %dma_wait3A] : memref<10112x128xf32, #tpu.memory_space<vmem_shared>> -> memref<128x128xf32, #tpu.memory_space<vmem_shared>>
      %dma_wait3A_71 = arith.constant 0 : i32
      %dma_wait3A_72 = tpu.memref_slice %arg11[%add3A_23, %dma_wait3A_71] : memref<10112x128xf32, #tpu.memory_space<vmem_shared>> -> memref<128x128xf32, #tpu.memory_space<vmem_shared>>
      tpu.wait_dma2 semaphore(%run_scoped3A : memref<!tpu.dma_semaphore, #tpu.memory_space<semaphore_mem>>) src(%arg10 : memref<128x128xf32, #tpu.memory_space<vmem>>) dst(%dma_wait3A_72 : memref<128x128xf32, #tpu.memory_space<vmem_shared>>)
      tpu.yield
    }) : () -> ()
    %mul3A_24 = arith.constant 632 : i32
    %mul3A_25 = arith.muli %arg1, %mul3A_24 : i32
    %add3A_26 = arith.constant 512 : i32
    %add3A_27 = arith.addi %mul3A_25, %add3A_26 : i32
    "tpu.region"() ({
      %run_scoped3A = tpu.sem_alloc : memref<!tpu.dma_semaphore, #tpu.memory_space<semaphore_mem>>
      %dma_start3A = arith.constant 0 : i32
      %dma_start3A_67 = arith.constant 0 : i32
      %dma_start3A_68 = tpu.memref_slice %arg10[%dma_start3A, %dma_start3A_67] : memref<128x128xf32, #tpu.memory_space<vmem>> -> memref<120x128xf32, #tpu.memory_space<vmem>>
      %dma_start3A_69 = arith.constant 0 : i32
      %dma_start3A_70 = tpu.memref_slice %arg11[%add3A_27, %dma_start3A_69] : memref<10112x128xf32, #tpu.memory_space<vmem_shared>> -> memref<120x128xf32, #tpu.memory_space<vmem_shared>>
      %dma_start3A_71 = arith.constant 0 : i32
      %dma_start3A_72 = tpu.memref_slice %arg11[%add3A_27, %dma_start3A_71] : memref<10112x128xf32, #tpu.memory_space<vmem_shared>> -> memref<120x128xf32, #tpu.memory_space<vmem_shared>>
      %dma_start3A_73 = arith.constant 0 : i32
      %dma_start3A_74 = arith.constant 0 : i32
      %dma_start3A_75 = tpu.memref_slice %arg10[%dma_start3A_73, %dma_start3A_74] : memref<128x128xf32, #tpu.memory_space<vmem>> -> memref<120x128xf32, #tpu.memory_space<vmem>>
      tpu.enqueue_dma source(%dma_start3A_75 : memref<120x128xf32, #tpu.memory_space<vmem>>) target(%dma_start3A_72 : memref<120x128xf32, #tpu.memory_space<vmem_shared>>) target_semaphore(%run_scoped3A : memref<!tpu.dma_semaphore, #tpu.memory_space<semaphore_mem>>)
      %dma_wait3A = arith.constant 0 : i32
      %dma_wait3A_76 = arith.constant 0 : i32
      %dma_wait3A_77 = tpu.memref_slice %arg10[%dma_wait3A, %dma_wait3A_76] : memref<128x128xf32, #tpu.memory_space<vmem>> -> memref<120x128xf32, #tpu.memory_space<vmem>>
      %dma_wait3A_78 = arith.constant 0 : i32
      %dma_wait3A_79 = tpu.memref_slice %arg11[%add3A_27, %dma_wait3A_78] : memref<10112x128xf32, #tpu.memory_space<vmem_shared>> -> memref<120x128xf32, #tpu.memory_space<vmem_shared>>
      %dma_wait3A_80 = arith.constant 0 : i32
      %dma_wait3A_81 = tpu.memref_slice %arg11[%add3A_27, %dma_wait3A_80] : memref<10112x128xf32, #tpu.memory_space<vmem_shared>> -> memref<120x128xf32, #tpu.memory_space<vmem_shared>>
      %dma_wait3A_82 = arith.constant 0 : i32
      %dma_wait3A_83 = arith.constant 0 : i32
      %dma_wait3A_84 = tpu.memref_slice %arg10[%dma_wait3A_82, %dma_wait3A_83] : memref<128x128xf32, #tpu.memory_space<vmem>> -> memref<120x128xf32, #tpu.memory_space<vmem>>
      tpu.wait_dma2 semaphore(%run_scoped3A : memref<!tpu.dma_semaphore, #tpu.memory_space<semaphore_mem>>) src(%dma_wait3A_84 : memref<120x128xf32, #tpu.memory_space<vmem>>) dst(%dma_wait3A_81 : memref<120x128xf32, #tpu.memory_space<vmem_shared>>)
      tpu.yield
    }) : () -> ()
    %barrier3A = arith.constant 0 : index
    tpu.barrier barrier_id(%barrier3A)
    %iota3A = tpu.iota {dimensions = array<i32: 0>} : vector<16xi32>
    %mul3A_28 = arith.constant 0 : i32
    %mul3A_29 = vector.broadcast %mul3A_28 : i32 to vector<16xi32>
    %mul3A_30 = arith.muli %iota3A, %mul3A_29 : vector<16xi32>
    %mul3A_31 = arith.constant 0 : i32
    %mul3A_32 = vector.broadcast %mul3A_31 : i32 to vector<16xi32>
    %mul3A_33 = arith.muli %iota3A, %mul3A_32 : vector<16xi32>
    %mul3A_34 = arith.constant 0 : i32
    %mul3A_35 = vector.broadcast %mul3A_34 : i32 to vector<16xi32>
    %mul3A_36 = arith.muli %iota3A, %mul3A_35 : vector<16xi32>
    %mul3A_37 = arith.constant 0 : i32
    %mul3A_38 = vector.broadcast %mul3A_37 : i32 to vector<16xi32>
    %mul3A_39 = arith.muli %iota3A, %mul3A_38 : vector<16xi32>
    %scan3A_40 = arith.constant 0 : i32
    %scan3A_41 = arith.constant 0 : i32
    %scan3A_42 = arith.constant 79 : i32
    %scan3A_43 = arith.addi %scan3A_41, %scan3A_42 : i32
    %scan3A_44 = arith.constant 1 : i32
    scf.for %scan3A_67 = %scan3A_41 to %scan3A_43 step %scan3A_44  : i32 {
      %mul3A_68 = arith.constant 128 : i32
      %mul3A_69 = arith.muli %scan3A_67, %mul3A_68 : i32
      %add3A_70 = arith.addi %mul3A_2, %mul3A_69 : i32
      "tpu.region"() ({
        %run_scoped3A = tpu.sem_alloc : memref<!tpu.dma_semaphore, #tpu.memory_space<semaphore_mem>>
        %dma_start3A_87 = tpu.memref_slice %arg3[%add3A_70] : memref<323584xi32, #tpu.memory_space<hbm>> -> memref<128xi32, #tpu.memory_space<hbm>>
        %dma_start3A_88 = tpu.memref_slice %arg3[%add3A_70] : memref<323584xi32, #tpu.memory_space<hbm>> -> memref<128xi32, #tpu.memory_space<hbm>>
        tpu.enqueue_dma source(%dma_start3A_88 : memref<128xi32, #tpu.memory_space<hbm>>) target(%arg6 : memref<128xi32, #tpu.memory_space<vmem>>) target_semaphore(%run_scoped3A : memref<!tpu.dma_semaphore, #tpu.memory_space<semaphore_mem>>)
        %dma_wait3A_89 = tpu.memref_slice %arg3[%add3A_70] : memref<323584xi32, #tpu.memory_space<hbm>> -> memref<128xi32, #tpu.memory_space<hbm>>
        %dma_wait3A_90 = tpu.memref_slice %arg3[%add3A_70] : memref<323584xi32, #tpu.memory_space<hbm>> -> memref<128xi32, #tpu.memory_space<hbm>>
        tpu.wait_dma2 semaphore(%run_scoped3A : memref<!tpu.dma_semaphore, #tpu.memory_space<semaphore_mem>>) src(%dma_wait3A_90 : memref<128xi32, #tpu.memory_space<hbm>>) dst(%arg6 : memref<128xi32, #tpu.memory_space<vmem>>)
        tpu.yield
      }) : () -> ()
      "tpu.region"() ({
        %run_scoped3A = tpu.sem_alloc : memref<!tpu.dma_semaphore, #tpu.memory_space<semaphore_mem>>
        %dma_start3A_87 = tpu.memref_slice %arg4[%add3A_70] : memref<323584xi32, #tpu.memory_space<hbm>> -> memref<128xi32, #tpu.memory_space<hbm>>
        %dma_start3A_88 = tpu.memref_slice %arg4[%add3A_70] : memref<323584xi32, #tpu.memory_space<hbm>> -> memref<128xi32, #tpu.memory_space<hbm>>
        tpu.enqueue_dma source(%dma_start3A_88 : memref<128xi32, #tpu.memory_space<hbm>>) target(%arg7 : memref<128xi32, #tpu.memory_space<vmem>>) target_semaphore(%run_scoped3A : memref<!tpu.dma_semaphore, #tpu.memory_space<semaphore_mem>>)
        %dma_wait3A_89 = tpu.memref_slice %arg4[%add3A_70] : memref<323584xi32, #tpu.memory_space<hbm>> -> memref<128xi32, #tpu.memory_space<hbm>>
        %dma_wait3A_90 = tpu.memref_slice %arg4[%add3A_70] : memref<323584xi32, #tpu.memory_space<hbm>> -> memref<128xi32, #tpu.memory_space<hbm>>
        tpu.wait_dma2 semaphore(%run_scoped3A : memref<!tpu.dma_semaphore, #tpu.memory_space<semaphore_mem>>) src(%dma_wait3A_90 : memref<128xi32, #tpu.memory_space<hbm>>) dst(%arg7 : memref<128xi32, #tpu.memory_space<vmem>>)
        tpu.yield
      }) : () -> ()
      %dma_start3A = arith.constant 0 : i32
      %dma_start3A_71 = arith.constant 0 : i32
      %dma_start3A_72 = tpu.memref_slice %arg2[%dma_start3A, %dma_start3A_71] : memref<10112x128xf32, #tpu.memory_space<hbm>> -> memref<10112x128xf32, #tpu.memory_space<hbm>>
      tpu.enqueue_indirect_dma source(%dma_start3A_72 : memref<10112x128xf32, #tpu.memory_space<hbm>>) target(%arg8 : memref<128x128xf32, #tpu.memory_space<vmem>>) offsets(%arg6 : memref<128xi32, #tpu.memory_space<vmem>>) semaphore(%arg12 : memref<!tpu.dma_semaphore, #tpu.memory_space<semaphore_mem>>)
      %dma_start3A_73 = arith.constant 0 : i32
      %dma_start3A_74 = arith.constant 0 : i32
      %dma_start3A_75 = tpu.memref_slice %arg2[%dma_start3A_73, %dma_start3A_74] : memref<10112x128xf32, #tpu.memory_space<hbm>> -> memref<10112x128xf32, #tpu.memory_space<hbm>>
      tpu.enqueue_indirect_dma source(%dma_start3A_75 : memref<10112x128xf32, #tpu.memory_space<hbm>>) target(%arg9 : memref<128x128xf32, #tpu.memory_space<vmem>>) offsets(%arg7 : memref<128xi32, #tpu.memory_space<vmem>>) semaphore(%arg13 : memref<!tpu.dma_semaphore, #tpu.memory_space<semaphore_mem>>)
      %dma_wait3A = arith.constant 0 : i32
      %dma_wait3A_76 = arith.constant 0 : i32
      %dma_wait3A_77 = tpu.memref_slice %arg2[%dma_wait3A, %dma_wait3A_76] : memref<10112x128xf32, #tpu.memory_space<hbm>> -> memref<10112x128xf32, #tpu.memory_space<hbm>>
      tpu.wait_indirect_dma semaphore(%arg12 : memref<!tpu.dma_semaphore, #tpu.memory_space<semaphore_mem>>) src(%dma_wait3A_77 : memref<10112x128xf32, #tpu.memory_space<hbm>>) dst(%arg8 : memref<128x128xf32, #tpu.memory_space<vmem>>)
      %dma_wait3A_78 = arith.constant 0 : i32
      %dma_wait3A_79 = arith.constant 0 : i32
      %dma_wait3A_80 = tpu.memref_slice %arg2[%dma_wait3A_78, %dma_wait3A_79] : memref<10112x128xf32, #tpu.memory_space<hbm>> -> memref<10112x128xf32, #tpu.memory_space<hbm>>
      tpu.wait_indirect_dma semaphore(%arg13 : memref<!tpu.dma_semaphore, #tpu.memory_space<semaphore_mem>>) src(%dma_wait3A_80 : memref<10112x128xf32, #tpu.memory_space<hbm>>) dst(%arg9 : memref<128x128xf32, #tpu.memory_space<vmem>>)
      %scan3A_81 = arith.constant 0 : i32
      %scan3A_82 = arith.constant 0 : i32
      %scan3A_83 = arith.constant 128 : i32
      %scan3A_84 = arith.addi %scan3A_82, %scan3A_83 : i32
      %scan3A_85 = arith.constant 1 : i32
      scf.for %scan3A_87 = %scan3A_82 to %scan3A_84 step %scan3A_85  : i32 {
        %get3A = arith.index_cast %scan3A_87 : i32 to index
        %get3A_88 = arith.constant 64 : index
        %get3A_89 = tpu.vector_load %arg8[%get3A, %get3A_88] {strides = array<i32>} : memref<128x128xf32, #tpu.memory_space<vmem>>, vector<1x16xf32>,
        %get3A_90 = vector.shape_cast %get3A_89 : vector<1x16xf32> to vector<16xf32>
        %get3A_91 = arith.index_cast %scan3A_87 : i32 to index
        %get3A_92 = arith.constant 80 : index
        %get3A_93 = tpu.vector_load %arg9[%get3A_91, %get3A_92] {strides = array<i32>} : memref<128x128xf32, #tpu.memory_space<vmem>>, vector<1x16xf32>,
        %get3A_94 = vector.shape_cast %get3A_93 : vector<1x16xf32> to vector<16xf32>
        %add3A_95 = arith.addf %get3A_90, %get3A_94 : vector<16xf32>
        %mul3A_96 = arith.constant 2.000000e-01 : f32
        %mul3A_97 = vector.broadcast %mul3A_96 : f32 to vector<16xf32>
        %mul3A_98 = arith.mulf %mul3A_97, %add3A_95 : vector<16xf32>
        %max3A = arith.maximumf %add3A_95, %mul3A_98 : vector<16xf32>
        %exp3A = math.exp %max3A : vector<16xf32>
        %broadcast_in_dim3A = vector.shape_cast %mul3A_30 : vector<16xi32> to vector<16x1xi32>
        %gather3A = vector.shape_cast %broadcast_in_dim3A : vector<16x1xi32> to vector<16xi32>
        %gather3A_99 = tpu.dynamic_gather %exp3A[%gather3A] in [0] : vector<16xf32>, vector<16xi32> -> vector<16xf32>
        %get3A_100 = arith.index_cast %scan3A_87 : i32 to index
        %get3A_101 = arith.constant 0 : index
        %get3A_102 = tpu.vector_load %arg8[%get3A_100, %get3A_101] {strides = array<i32>} : memref<128x128xf32, #tpu.memory_space<vmem>>, vector<1x16xf32>,
        %get3A_103 = vector.shape_cast %get3A_102 : vector<1x16xf32> to vector<16xf32>
        %mul3A_104 = arith.mulf %get3A_103, %gather3A_99 : vector<16xf32>
        %swap3A = arith.index_cast %scan3A_87 : i32 to index
        %swap3A_105 = arith.constant 0 : index
        %swap3A_106 = tpu.vector_load %arg10[%swap3A, %swap3A_105] {strides = array<i32>} : memref<128x128xf32, #tpu.memory_space<vmem>>, vector<1x16xf32>,
        %swap3A_107 = vector.shape_cast %swap3A_106 : vector<1x16xf32> to vector<16xf32>
        %swap3A_108 = vector.shape_cast %mul3A_104 : vector<16xf32> to vector<1x16xf32>
        tpu.vector_store %arg10[%swap3A, %swap3A_105], %swap3A_108 {strides = array<i32>} : memref<128x128xf32, #tpu.memory_space<vmem>>, vector<1x16xf32>,
        %broadcast_in_dim3A_109 = vector.shape_cast %mul3A_33 : vector<16xi32> to vector<16x1xi32>
        %gather3A_110 = vector.shape_cast %broadcast_in_dim3A_109 : vector<16x1xi32> to vector<16xi32>
        %gather3A_111 = tpu.dynamic_gather %exp3A[%gather3A_110] in [0] : vector<16xf32>, vector<16xi32> -> vector<16xf32>
        %get3A_112 = arith.index_cast %scan3A_87 : i32 to index
        %get3A_113 = arith.constant 16 : index
        %get3A_114 = tpu.vector_load %arg8[%get3A_112, %get3A_113] {strides = array<i32>} : memref<128x128xf32, #tpu.memory_space<vmem>>, vector<1x16xf32>,
        %get3A_115 = vector.shape_cast %get3A_114 : vector<1x16xf32> to vector<16xf32>
        %mul3A_116 = arith.mulf %get3A_115, %gather3A_111 : vector<16xf32>
        %swap3A_117 = arith.index_cast %scan3A_87 : i32 to index
        %swap3A_118 = arith.constant 16 : index
        %swap3A_119 = tpu.vector_load %arg10[%swap3A_117, %swap3A_118] {strides = array<i32>} : memref<128x128xf32, #tpu.memory_space<vmem>>, vector<1x16xf32>,
        %swap3A_120 = vector.shape_cast %swap3A_119 : vector<1x16xf32> to vector<16xf32>
        %swap3A_121 = vector.shape_cast %mul3A_116 : vector<16xf32> to vector<1x16xf32>
        tpu.vector_store %arg10[%swap3A_117, %swap3A_118], %swap3A_121 {strides = array<i32>} : memref<128x128xf32, #tpu.memory_space<vmem>>, vector<1x16xf32>,
        %broadcast_in_dim3A_122 = vector.shape_cast %mul3A_36 : vector<16xi32> to vector<16x1xi32>
        %gather3A_123 = vector.shape_cast %broadcast_in_dim3A_122 : vector<16x1xi32> to vector<16xi32>
        %gather3A_124 = tpu.dynamic_gather %exp3A[%gather3A_123] in [0] : vector<16xf32>, vector<16xi32> -> vector<16xf32>
        %get3A_125 = arith.index_cast %scan3A_87 : i32 to index
        %get3A_126 = arith.constant 32 : index
        %get3A_127 = tpu.vector_load %arg8[%get3A_125, %get3A_126] {strides = array<i32>} : memref<128x128xf32, #tpu.memory_space<vmem>>, vector<1x16xf32>,
        %get3A_128 = vector.shape_cast %get3A_127 : vector<1x16xf32> to vector<16xf32>
        %mul3A_129 = arith.mulf %get3A_128, %gather3A_124 : vector<16xf32>
        %swap3A_130 = arith.index_cast %scan3A_87 : i32 to index
        %swap3A_131 = arith.constant 32 : index
        %swap3A_132 = tpu.vector_load %arg10[%swap3A_130, %swap3A_131] {strides = array<i32>} : memref<128x128xf32, #tpu.memory_space<vmem>>, vector<1x16xf32>,
        %swap3A_133 = vector.shape_cast %swap3A_132 : vector<1x16xf32> to vector<16xf32>
        %swap3A_134 = vector.shape_cast %mul3A_129 : vector<16xf32> to vector<1x16xf32>
        tpu.vector_store %arg10[%swap3A_130, %swap3A_131], %swap3A_134 {strides = array<i32>} : memref<128x128xf32, #tpu.memory_space<vmem>>, vector<1x16xf32>,
        %broadcast_in_dim3A_135 = vector.shape_cast %mul3A_39 : vector<16xi32> to vector<16x1xi32>
        %gather3A_136 = vector.shape_cast %broadcast_in_dim3A_135 : vector<16x1xi32> to vector<16xi32>
        %gather3A_137 = tpu.dynamic_gather %exp3A[%gather3A_136] in [0] : vector<16xf32>, vector<16xi32> -> vector<16xf32>
        %get3A_138 = arith.index_cast %scan3A_87 : i32 to index
        %get3A_139 = arith.constant 48 : index
        %get3A_140 = tpu.vector_load %arg8[%get3A_138, %get3A_139] {strides = array<i32>} : memref<128x128xf32, #tpu.memory_space<vmem>>, vector<1x16xf32>,
        %get3A_141 = vector.shape_cast %get3A_140 : vector<1x16xf32> to vector<16xf32>
        %mul3A_142 = arith.mulf %get3A_141, %gather3A_137 : vector<16xf32>
        %swap3A_143 = arith.index_cast %scan3A_87 : i32 to index
        %swap3A_144 = arith.constant 48 : index
        %swap3A_145 = tpu.vector_load %arg10[%swap3A_143, %swap3A_144] {strides = array<i32>} : memref<128x128xf32, #tpu.memory_space<vmem>>, vector<1x16xf32>,
        %swap3A_146 = vector.shape_cast %swap3A_145 : vector<1x16xf32> to vector<16xf32>
        %swap3A_147 = vector.shape_cast %mul3A_142 : vector<16xf32> to vector<1x16xf32>
        tpu.vector_store %arg10[%swap3A_143, %swap3A_144], %swap3A_147 {strides = array<i32>} : memref<128x128xf32, #tpu.memory_space<vmem>>, vector<1x16xf32>,
        %swap3A_148 = arith.index_cast %scan3A_87 : i32 to index
        %swap3A_149 = arith.constant 64 : index
        %swap3A_150 = tpu.vector_load %arg10[%swap3A_148, %swap3A_149] {strides = array<i32>} : memref<128x128xf32, #tpu.memory_space<vmem>>, vector<1x16xf32>,
        %swap3A_151 = vector.shape_cast %swap3A_150 : vector<1x16xf32> to vector<16xf32>
        %swap3A_152 = vector.shape_cast %exp3A : vector<16xf32> to vector<1x16xf32>
        tpu.vector_store %arg10[%swap3A_148, %swap3A_149], %swap3A_152 {strides = array<i32>} : memref<128x128xf32, #tpu.memory_space<vmem>>, vector<1x16xf32>,
      }
      %scan3A_86 = arith.constant 128 : i32
      "tpu.region"() ({
        %run_scoped3A = tpu.sem_alloc : memref<!tpu.dma_semaphore, #tpu.memory_space<semaphore_mem>>
        %dma_start3A_87 = arith.constant 0 : i32
        %dma_start3A_88 = arith.constant 0 : i32
        %dma_start3A_89 = tpu.memref_slice %arg11[%dma_start3A_87, %dma_start3A_88] : memref<10112x128xf32, #tpu.memory_space<vmem_shared>> -> memref<10112x128xf32, #tpu.memory_space<vmem_shared>>
        tpu.enqueue_indirect_dma source(%arg10 : memref<128x128xf32, #tpu.memory_space<vmem>>) target(%dma_start3A_89 : memref<10112x128xf32, #tpu.memory_space<vmem_shared>>) offsets(%arg7 : memref<128xi32, #tpu.memory_space<vmem>>) semaphore(%run_scoped3A : memref<!tpu.dma_semaphore, #tpu.memory_space<semaphore_mem>>) {add = true}
        %dma_wait3A_90 = arith.constant 0 : i32
        %dma_wait3A_91 = arith.constant 0 : i32
        %dma_wait3A_92 = tpu.memref_slice %arg11[%dma_wait3A_90, %dma_wait3A_91] : memref<10112x128xf32, #tpu.memory_space<vmem_shared>> -> memref<10112x128xf32, #tpu.memory_space<vmem_shared>>
        tpu.wait_indirect_dma semaphore(%run_scoped3A : memref<!tpu.dma_semaphore, #tpu.memory_space<semaphore_mem>>) src(%arg10 : memref<128x128xf32, #tpu.memory_space<vmem>>) dst(%dma_wait3A_92 : memref<10112x128xf32, #tpu.memory_space<vmem_shared>>)
        tpu.yield
      }) : () -> ()
    }
    %scan3A_45 = arith.constant 79 : i32
    %barrier3A_46 = arith.constant 0 : index
    tpu.barrier barrier_id(%barrier3A_46)
    %mul3A_47 = arith.constant 632 : i32
    %mul3A_48 = arith.muli %arg1, %mul3A_47 : i32
    %add3A_49 = arith.constant 0 : i32
    %add3A_50 = arith.addi %mul3A_48, %add3A_49 : i32
    "tpu.region"() ({
      %run_scoped3A = tpu.sem_alloc : memref<!tpu.dma_semaphore, #tpu.memory_space<semaphore_mem>>
      %dma_start3A = arith.constant 0 : i32
      %dma_start3A_67 = tpu.memref_slice %arg5[%arg0, %add3A_50, %dma_start3A] : memref<2x10112x128xf32, #tpu.memory_space<hbm>> -> memref<1x128x128xf32, #tpu.memory_space<hbm>>
      %dma_start3A_68 = tpu.memref_squeeze %dma_start3A_67 : memref<1x128x128xf32, #tpu.memory_space<hbm>> -> memref<128x128xf32, #tpu.memory_space<hbm>>
      %dma_start3A_69 = arith.constant 0 : i32
      %dma_start3A_70 = tpu.memref_slice %arg11[%add3A_50, %dma_start3A_69] : memref<10112x128xf32, #tpu.memory_space<vmem_shared>> -> memref<128x128xf32, #tpu.memory_space<vmem_shared>>
      tpu.enqueue_dma source(%dma_start3A_70 : memref<128x128xf32, #tpu.memory_space<vmem_shared>>) target(%dma_start3A_68 : memref<128x128xf32, #tpu.memory_space<hbm>>) target_semaphore(%run_scoped3A : memref<!tpu.dma_semaphore, #tpu.memory_space<semaphore_mem>>)
      %dma_wait3A = arith.constant 0 : i32
      %dma_wait3A_71 = tpu.memref_slice %arg5[%arg0, %add3A_50, %dma_wait3A] : memref<2x10112x128xf32, #tpu.memory_space<hbm>> -> memref<1x128x128xf32, #tpu.memory_space<hbm>>
      %dma_wait3A_72 = tpu.memref_squeeze %dma_wait3A_71 : memref<1x128x128xf32, #tpu.memory_space<hbm>> -> memref<128x128xf32, #tpu.memory_space<hbm>>
      %dma_wait3A_73 = arith.constant 0 : i32
      %dma_wait3A_74 = tpu.memref_slice %arg11[%add3A_50, %dma_wait3A_73] : memref<10112x128xf32, #tpu.memory_space<vmem_shared>> -> memref<128x128xf32, #tpu.memory_space<vmem_shared>>
      tpu.wait_dma2 semaphore(%run_scoped3A : memref<!tpu.dma_semaphore, #tpu.memory_space<semaphore_mem>>) src(%dma_wait3A_74 : memref<128x128xf32, #tpu.memory_space<vmem_shared>>) dst(%dma_wait3A_72 : memref<128x128xf32, #tpu.memory_space<hbm>>)
      tpu.yield
    }) : () -> ()
    %mul3A_51 = arith.constant 632 : i32
    %mul3A_52 = arith.muli %arg1, %mul3A_51 : i32
    %add3A_53 = arith.constant 128 : i32
    %add3A_54 = arith.addi %mul3A_52, %add3A_53 : i32
    "tpu.region"() ({
      %run_scoped3A = tpu.sem_alloc : memref<!tpu.dma_semaphore, #tpu.memory_space<semaphore_mem>>
      %dma_start3A = arith.constant 0 : i32
      %dma_start3A_67 = tpu.memref_slice %arg5[%arg0, %add3A_54, %dma_start3A] : memref<2x10112x128xf32, #tpu.memory_space<hbm>> -> memref<1x128x128xf32, #tpu.memory_space<hbm>>
      %dma_start3A_68 = tpu.memref_squeeze %dma_start3A_67 : memref<1x128x128xf32, #tpu.memory_space<hbm>> -> memref<128x128xf32, #tpu.memory_space<hbm>>
      %dma_start3A_69 = arith.constant 0 : i32
      %dma_start3A_70 = tpu.memref_slice %arg11[%add3A_54, %dma_start3A_69] : memref<10112x128xf32, #tpu.memory_space<vmem_shared>> -> memref<128x128xf32, #tpu.memory_space<vmem_shared>>
      tpu.enqueue_dma source(%dma_start3A_70 : memref<128x128xf32, #tpu.memory_space<vmem_shared>>) target(%dma_start3A_68 : memref<128x128xf32, #tpu.memory_space<hbm>>) target_semaphore(%run_scoped3A : memref<!tpu.dma_semaphore, #tpu.memory_space<semaphore_mem>>)
      %dma_wait3A = arith.constant 0 : i32
      %dma_wait3A_71 = tpu.memref_slice %arg5[%arg0, %add3A_54, %dma_wait3A] : memref<2x10112x128xf32, #tpu.memory_space<hbm>> -> memref<1x128x128xf32, #tpu.memory_space<hbm>>
      %dma_wait3A_72 = tpu.memref_squeeze %dma_wait3A_71 : memref<1x128x128xf32, #tpu.memory_space<hbm>> -> memref<128x128xf32, #tpu.memory_space<hbm>>
      %dma_wait3A_73 = arith.constant 0 : i32
      %dma_wait3A_74 = tpu.memref_slice %arg11[%add3A_54, %dma_wait3A_73] : memref<10112x128xf32, #tpu.memory_space<vmem_shared>> -> memref<128x128xf32, #tpu.memory_space<vmem_shared>>
      tpu.wait_dma2 semaphore(%run_scoped3A : memref<!tpu.dma_semaphore, #tpu.memory_space<semaphore_mem>>) src(%dma_wait3A_74 : memref<128x128xf32, #tpu.memory_space<vmem_shared>>) dst(%dma_wait3A_72 : memref<128x128xf32, #tpu.memory_space<hbm>>)
      tpu.yield
    }) : () -> ()
    %mul3A_55 = arith.constant 632 : i32
    %mul3A_56 = arith.muli %arg1, %mul3A_55 : i32
    %add3A_57 = arith.constant 256 : i32
    %add3A_58 = arith.addi %mul3A_56, %add3A_57 : i32
    "tpu.region"() ({
      %run_scoped3A = tpu.sem_alloc : memref<!tpu.dma_semaphore, #tpu.memory_space<semaphore_mem>>
      %dma_start3A = arith.constant 0 : i32
      %dma_start3A_67 = tpu.memref_slice %arg5[%arg0, %add3A_58, %dma_start3A] : memref<2x10112x128xf32, #tpu.memory_space<hbm>> -> memref<1x128x128xf32, #tpu.memory_space<hbm>>
      %dma_start3A_68 = tpu.memref_squeeze %dma_start3A_67 : memref<1x128x128xf32, #tpu.memory_space<hbm>> -> memref<128x128xf32, #tpu.memory_space<hbm>>
      %dma_start3A_69 = arith.constant 0 : i32
      %dma_start3A_70 = tpu.memref_slice %arg11[%add3A_58, %dma_start3A_69] : memref<10112x128xf32, #tpu.memory_space<vmem_shared>> -> memref<128x128xf32, #tpu.memory_space<vmem_shared>>
      tpu.enqueue_dma source(%dma_start3A_70 : memref<128x128xf32, #tpu.memory_space<vmem_shared>>) target(%dma_start3A_68 : memref<128x128xf32, #tpu.memory_space<hbm>>) target_semaphore(%run_scoped3A : memref<!tpu.dma_semaphore, #tpu.memory_space<semaphore_mem>>)
      %dma_wait3A = arith.constant 0 : i32
      %dma_wait3A_71 = tpu.memref_slice %arg5[%arg0, %add3A_58, %dma_wait3A] : memref<2x10112x128xf32, #tpu.memory_space<hbm>> -> memref<1x128x128xf32, #tpu.memory_space<hbm>>
      %dma_wait3A_72 = tpu.memref_squeeze %dma_wait3A_71 : memref<1x128x128xf32, #tpu.memory_space<hbm>> -> memref<128x128xf32, #tpu.memory_space<hbm>>
      %dma_wait3A_73 = arith.constant 0 : i32
      %dma_wait3A_74 = tpu.memref_slice %arg11[%add3A_58, %dma_wait3A_73] : memref<10112x128xf32, #tpu.memory_space<vmem_shared>> -> memref<128x128xf32, #tpu.memory_space<vmem_shared>>
      tpu.wait_dma2 semaphore(%run_scoped3A : memref<!tpu.dma_semaphore, #tpu.memory_space<semaphore_mem>>) src(%dma_wait3A_74 : memref<128x128xf32, #tpu.memory_space<vmem_shared>>) dst(%dma_wait3A_72 : memref<128x128xf32, #tpu.memory_space<hbm>>)
      tpu.yield
    }) : () -> ()
    %mul3A_59 = arith.constant 632 : i32
    %mul3A_60 = arith.muli %arg1, %mul3A_59 : i32
    %add3A_61 = arith.constant 384 : i32
    %add3A_62 = arith.addi %mul3A_60, %add3A_61 : i32
    "tpu.region"() ({
      %run_scoped3A = tpu.sem_alloc : memref<!tpu.dma_semaphore, #tpu.memory_space<semaphore_mem>>
      %dma_start3A = arith.constant 0 : i32
      %dma_start3A_67 = tpu.memref_slice %arg5[%arg0, %add3A_62, %dma_start3A] : memref<2x10112x128xf32, #tpu.memory_space<hbm>> -> memref<1x128x128xf32, #tpu.memory_space<hbm>>
      %dma_start3A_68 = tpu.memref_squeeze %dma_start3A_67 : memref<1x128x128xf32, #tpu.memory_space<hbm>> -> memref<128x128xf32, #tpu.memory_space<hbm>>
      %dma_start3A_69 = arith.constant 0 : i32
      %dma_start3A_70 = tpu.memref_slice %arg11[%add3A_62, %dma_start3A_69] : memref<10112x128xf32, #tpu.memory_space<vmem_shared>> -> memref<128x128xf32, #tpu.memory_space<vmem_shared>>
      tpu.enqueue_dma source(%dma_start3A_70 : memref<128x128xf32, #tpu.memory_space<vmem_shared>>) target(%dma_start3A_68 : memref<128x128xf32, #tpu.memory_space<hbm>>) target_semaphore(%run_scoped3A : memref<!tpu.dma_semaphore, #tpu.memory_space<semaphore_mem>>)
      %dma_wait3A = arith.constant 0 : i32
      %dma_wait3A_71 = tpu.memref_slice %arg5[%arg0, %add3A_62, %dma_wait3A] : memref<2x10112x128xf32, #tpu.memory_space<hbm>> -> memref<1x128x128xf32, #tpu.memory_space<hbm>>
      %dma_wait3A_72 = tpu.memref_squeeze %dma_wait3A_71 : memref<1x128x128xf32, #tpu.memory_space<hbm>> -> memref<128x128xf32, #tpu.memory_space<hbm>>
      %dma_wait3A_73 = arith.constant 0 : i32
      %dma_wait3A_74 = tpu.memref_slice %arg11[%add3A_62, %dma_wait3A_73] : memref<10112x128xf32, #tpu.memory_space<vmem_shared>> -> memref<128x128xf32, #tpu.memory_space<vmem_shared>>
      tpu.wait_dma2 semaphore(%run_scoped3A : memref<!tpu.dma_semaphore, #tpu.memory_space<semaphore_mem>>) src(%dma_wait3A_74 : memref<128x128xf32, #tpu.memory_space<vmem_shared>>) dst(%dma_wait3A_72 : memref<128x128xf32, #tpu.memory_space<hbm>>)
      tpu.yield
    }) : () -> ()
    %mul3A_63 = arith.constant 632 : i32
    %mul3A_64 = arith.muli %arg1, %mul3A_63 : i32
    %add3A_65 = arith.constant 512 : i32
    %add3A_66 = arith.addi %mul3A_64, %add3A_65 : i32
    "tpu.region"() ({
      %run_scoped3A = tpu.sem_alloc : memref<!tpu.dma_semaphore, #tpu.memory_space<semaphore_mem>>
      %dma_start3A = arith.constant 0 : i32
      %dma_start3A_67 = tpu.memref_slice %arg5[%arg0, %add3A_66, %dma_start3A] : memref<2x10112x128xf32, #tpu.memory_space<hbm>> -> memref<1x120x128xf32, #tpu.memory_space<hbm>>
      %dma_start3A_68 = tpu.memref_squeeze %dma_start3A_67 : memref<1x120x128xf32, #tpu.memory_space<hbm>> -> memref<120x128xf32, #tpu.memory_space<hbm>>
      %dma_start3A_69 = arith.constant 0 : i32
      %dma_start3A_70 = tpu.memref_slice %arg11[%add3A_66, %dma_start3A_69] : memref<10112x128xf32, #tpu.memory_space<vmem_shared>> -> memref<120x128xf32, #tpu.memory_space<vmem_shared>>
      tpu.enqueue_dma source(%dma_start3A_70 : memref<120x128xf32, #tpu.memory_space<vmem_shared>>) target(%dma_start3A_68 : memref<120x128xf32, #tpu.memory_space<hbm>>) target_semaphore(%run_scoped3A : memref<!tpu.dma_semaphore, #tpu.memory_space<semaphore_mem>>)
      %dma_wait3A = arith.constant 0 : i32
      %dma_wait3A_71 = tpu.memref_slice %arg5[%arg0, %add3A_66, %dma_wait3A] : memref<2x10112x128xf32, #tpu.memory_space<hbm>> -> memref<1x120x128xf32, #tpu.memory_space<hbm>>
      %dma_wait3A_72 = tpu.memref_squeeze %dma_wait3A_71 : memref<1x120x128xf32, #tpu.memory_space<hbm>> -> memref<120x128xf32, #tpu.memory_space<hbm>>
      %dma_wait3A_73 = arith.constant 0 : i32
      %dma_wait3A_74 = tpu.memref_slice %arg11[%add3A_66, %dma_wait3A_73] : memref<10112x128xf32, #tpu.memory_space<vmem_shared>> -> memref<120x128xf32, #tpu.memory_space<vmem_shared>>
      tpu.wait_dma2 semaphore(%run_scoped3A : memref<!tpu.dma_semaphore, #tpu.memory_space<semaphore_mem>>) src(%dma_wait3A_74 : memref<120x128xf32, #tpu.memory_space<vmem_shared>>) dst(%dma_wait3A_72 : memref<120x128xf32, #tpu.memory_space<hbm>>)
      tpu.yield
    }) : () -> ()
    return
  }
}

#map = affine_map<(d0, d1) -> (0, 0)>
#map1 = affine_map<(d0, d1) -> (0)>
#map2 = affine_map<(d0, d1) -> (0, 0, 0)>
module attributes {stable_mosaic.version = 14 : i64} {
  func.func @k(%arg0: i32, %arg1: i32, %arg2: memref<10112x128xf32, #tpu.memory_space<hbm>>, %arg3: memref<323584xi32, #tpu.memory_space<hbm>>, %arg4: memref<323584xi32, #tpu.memory_space<hbm>>, %arg5: memref<2x10112x128xf32, #tpu.memory_space<hbm>>, %arg6: memref<128xi32, #tpu.memory_space<vmem>>, %arg7: memref<128xi32, #tpu.memory_space<vmem>>, %arg8: memref<128x128xf32, #tpu.memory_space<vmem>>, %arg9: memref<128x128xf32, #tpu.memory_space<vmem>>, %arg10: memref<128x128xf32, #tpu.memory_space<vmem>>, %arg11: memref<10112x128xf32, #tpu.memory_space<vmem_shared>>, %arg12: memref<!tpu.dma_semaphore, #tpu.memory_space<semaphore_mem>>, %arg13: memref<!tpu.dma_semaphore, #tpu.memory_space<semaphore_mem>>) attributes {dimension_semantics = [#tpu.dimension_semantics<core_parallel>, #tpu.dimension_semantics<subcore_parallel>], iteration_bounds = array<i64: 2, 16>, scalar_prefetch = 0 : i64, scratch_operands = 8 : i64, tpu.core_type = #tpu.core_type<sc_vector_subcore>, window_params = [{transform_indices = #map}, {transform_indices = #map1}, {transform_indices = #map1}, {transform_indices = #map2}]} {
    %mul3A = arith.constant 16 : i32
    %mul3A_0 = arith.muli %arg0, %mul3A : i32
    %add3A = arith.addi %mul3A_0, %arg1 : i32
    %mul3A_1 = arith.constant 10112 : i32
    %mul3A_2 = arith.muli %add3A, %mul3A_1 : i32
    %scan3A = arith.constant 0 : i32
    %scan3A_3 = arith.constant 0 : i32
    %scan3A_4 = arith.constant 128 : i32
    %scan3A_5 = arith.addi %scan3A_3, %scan3A_4 : i32
    %scan3A_6 = arith.constant 1 : i32
    scf.for %scan3A_78 = %scan3A_3 to %scan3A_5 step %scan3A_6  : i32 {
      %broadcast_in_dim3A = arith.constant 0.000000e+00 : f32
      %broadcast_in_dim3A_79 = vector.broadcast %broadcast_in_dim3A : f32 to vector<16xf32>
      %swap3A = arith.index_cast %scan3A_78 : i32 to index
      %swap3A_80 = arith.constant 0 : index
      %swap3A_81 = tpu.vector_load %arg10[%swap3A, %swap3A_80] {strides = array<i32>} : memref<128x128xf32, #tpu.memory_space<vmem>>, vector<1x16xf32>,
      %swap3A_82 = vector.shape_cast %swap3A_81 : vector<1x16xf32> to vector<16xf32>
      %swap3A_83 = vector.shape_cast %broadcast_in_dim3A_79 : vector<16xf32> to vector<1x16xf32>
      tpu.vector_store %arg10[%swap3A, %swap3A_80], %swap3A_83 {strides = array<i32>} : memref<128x128xf32, #tpu.memory_space<vmem>>, vector<1x16xf32>,
      %broadcast_in_dim3A_84 = arith.constant 0.000000e+00 : f32
      %broadcast_in_dim3A_85 = vector.broadcast %broadcast_in_dim3A_84 : f32 to vector<16xf32>
      %swap3A_86 = arith.index_cast %scan3A_78 : i32 to index
      %swap3A_87 = arith.constant 16 : index
      %swap3A_88 = tpu.vector_load %arg10[%swap3A_86, %swap3A_87] {strides = array<i32>} : memref<128x128xf32, #tpu.memory_space<vmem>>, vector<1x16xf32>,
      %swap3A_89 = vector.shape_cast %swap3A_88 : vector<1x16xf32> to vector<16xf32>
      %swap3A_90 = vector.shape_cast %broadcast_in_dim3A_85 : vector<16xf32> to vector<1x16xf32>
      tpu.vector_store %arg10[%swap3A_86, %swap3A_87], %swap3A_90 {strides = array<i32>} : memref<128x128xf32, #tpu.memory_space<vmem>>, vector<1x16xf32>,
      %broadcast_in_dim3A_91 = arith.constant 0.000000e+00 : f32
      %broadcast_in_dim3A_92 = vector.broadcast %broadcast_in_dim3A_91 : f32 to vector<16xf32>
      %swap3A_93 = arith.index_cast %scan3A_78 : i32 to index
      %swap3A_94 = arith.constant 32 : index
      %swap3A_95 = tpu.vector_load %arg10[%swap3A_93, %swap3A_94] {strides = array<i32>} : memref<128x128xf32, #tpu.memory_space<vmem>>, vector<1x16xf32>,
      %swap3A_96 = vector.shape_cast %swap3A_95 : vector<1x16xf32> to vector<16xf32>
      %swap3A_97 = vector.shape_cast %broadcast_in_dim3A_92 : vector<16xf32> to vector<1x16xf32>
      tpu.vector_store %arg10[%swap3A_93, %swap3A_94], %swap3A_97 {strides = array<i32>} : memref<128x128xf32, #tpu.memory_space<vmem>>, vector<1x16xf32>,
      %broadcast_in_dim3A_98 = arith.constant 0.000000e+00 : f32
      %broadcast_in_dim3A_99 = vector.broadcast %broadcast_in_dim3A_98 : f32 to vector<16xf32>
      %swap3A_100 = arith.index_cast %scan3A_78 : i32 to index
      %swap3A_101 = arith.constant 48 : index
      %swap3A_102 = tpu.vector_load %arg10[%swap3A_100, %swap3A_101] {strides = array<i32>} : memref<128x128xf32, #tpu.memory_space<vmem>>, vector<1x16xf32>,
      %swap3A_103 = vector.shape_cast %swap3A_102 : vector<1x16xf32> to vector<16xf32>
      %swap3A_104 = vector.shape_cast %broadcast_in_dim3A_99 : vector<16xf32> to vector<1x16xf32>
      tpu.vector_store %arg10[%swap3A_100, %swap3A_101], %swap3A_104 {strides = array<i32>} : memref<128x128xf32, #tpu.memory_space<vmem>>, vector<1x16xf32>,
      %broadcast_in_dim3A_105 = arith.constant 0.000000e+00 : f32
      %broadcast_in_dim3A_106 = vector.broadcast %broadcast_in_dim3A_105 : f32 to vector<16xf32>
      %swap3A_107 = arith.index_cast %scan3A_78 : i32 to index
      %swap3A_108 = arith.constant 64 : index
      %swap3A_109 = tpu.vector_load %arg10[%swap3A_107, %swap3A_108] {strides = array<i32>} : memref<128x128xf32, #tpu.memory_space<vmem>>, vector<1x16xf32>,
      %swap3A_110 = vector.shape_cast %swap3A_109 : vector<1x16xf32> to vector<16xf32>
      %swap3A_111 = vector.shape_cast %broadcast_in_dim3A_106 : vector<16xf32> to vector<1x16xf32>
      tpu.vector_store %arg10[%swap3A_107, %swap3A_108], %swap3A_111 {strides = array<i32>} : memref<128x128xf32, #tpu.memory_space<vmem>>, vector<1x16xf32>,
      %broadcast_in_dim3A_112 = arith.constant 0.000000e+00 : f32
      %broadcast_in_dim3A_113 = vector.broadcast %broadcast_in_dim3A_112 : f32 to vector<16xf32>
      %swap3A_114 = arith.index_cast %scan3A_78 : i32 to index
      %swap3A_115 = arith.constant 80 : index
      %swap3A_116 = tpu.vector_load %arg10[%swap3A_114, %swap3A_115] {strides = array<i32>} : memref<128x128xf32, #tpu.memory_space<vmem>>, vector<1x16xf32>,
      %swap3A_117 = vector.shape_cast %swap3A_116 : vector<1x16xf32> to vector<16xf32>
      %swap3A_118 = vector.shape_cast %broadcast_in_dim3A_113 : vector<16xf32> to vector<1x16xf32>
      tpu.vector_store %arg10[%swap3A_114, %swap3A_115], %swap3A_118 {strides = array<i32>} : memref<128x128xf32, #tpu.memory_space<vmem>>, vector<1x16xf32>,
      %broadcast_in_dim3A_119 = arith.constant 0.000000e+00 : f32
      %broadcast_in_dim3A_120 = vector.broadcast %broadcast_in_dim3A_119 : f32 to vector<16xf32>
      %swap3A_121 = arith.index_cast %scan3A_78 : i32 to index
      %swap3A_122 = arith.constant 96 : index
      %swap3A_123 = tpu.vector_load %arg10[%swap3A_121, %swap3A_122] {strides = array<i32>} : memref<128x128xf32, #tpu.memory_space<vmem>>, vector<1x16xf32>,
      %swap3A_124 = vector.shape_cast %swap3A_123 : vector<1x16xf32> to vector<16xf32>
      %swap3A_125 = vector.shape_cast %broadcast_in_dim3A_120 : vector<16xf32> to vector<1x16xf32>
      tpu.vector_store %arg10[%swap3A_121, %swap3A_122], %swap3A_125 {strides = array<i32>} : memref<128x128xf32, #tpu.memory_space<vmem>>, vector<1x16xf32>,
      %broadcast_in_dim3A_126 = arith.constant 0.000000e+00 : f32
      %broadcast_in_dim3A_127 = vector.broadcast %broadcast_in_dim3A_126 : f32 to vector<16xf32>
      %swap3A_128 = arith.index_cast %scan3A_78 : i32 to index
      %swap3A_129 = arith.constant 112 : index
      %swap3A_130 = tpu.vector_load %arg10[%swap3A_128, %swap3A_129] {strides = array<i32>} : memref<128x128xf32, #tpu.memory_space<vmem>>, vector<1x16xf32>,
      %swap3A_131 = vector.shape_cast %swap3A_130 : vector<1x16xf32> to vector<16xf32>
      %swap3A_132 = vector.shape_cast %broadcast_in_dim3A_127 : vector<16xf32> to vector<1x16xf32>
      tpu.vector_store %arg10[%swap3A_128, %swap3A_129], %swap3A_132 {strides = array<i32>} : memref<128x128xf32, #tpu.memory_space<vmem>>, vector<1x16xf32>,
    }
    %scan3A_7 = arith.constant 128 : i32
    %mul3A_8 = arith.constant 632 : i32
    %mul3A_9 = arith.muli %arg1, %mul3A_8 : i32
    %add3A_10 = arith.constant 0 : i32
    %add3A_11 = arith.addi %mul3A_9, %add3A_10 : i32
    "tpu.region"() ({
      %run_scoped3A = tpu.sem_alloc : memref<!tpu.dma_semaphore, #tpu.memory_space<semaphore_mem>>
      %dma_start3A = arith.constant 0 : i32
      %dma_start3A_78 = tpu.memref_slice %arg11[%add3A_11, %dma_start3A] : memref<10112x128xf32, #tpu.memory_space<vmem_shared>> -> memref<128x128xf32, #tpu.memory_space<vmem_shared>>
      %dma_start3A_79 = arith.constant 0 : i32
      %dma_start3A_80 = tpu.memref_slice %arg11[%add3A_11, %dma_start3A_79] : memref<10112x128xf32, #tpu.memory_space<vmem_shared>> -> memref<128x128xf32, #tpu.memory_space<vmem_shared>>
      tpu.enqueue_dma source(%arg10 : memref<128x128xf32, #tpu.memory_space<vmem>>) target(%dma_start3A_80 : memref<128x128xf32, #tpu.memory_space<vmem_shared>>) target_semaphore(%run_scoped3A : memref<!tpu.dma_semaphore, #tpu.memory_space<semaphore_mem>>)
      %dma_wait3A = arith.constant 0 : i32
      %dma_wait3A_81 = tpu.memref_slice %arg11[%add3A_11, %dma_wait3A] : memref<10112x128xf32, #tpu.memory_space<vmem_shared>> -> memref<128x128xf32, #tpu.memory_space<vmem_shared>>
      %dma_wait3A_82 = arith.constant 0 : i32
      %dma_wait3A_83 = tpu.memref_slice %arg11[%add3A_11, %dma_wait3A_82] : memref<10112x128xf32, #tpu.memory_space<vmem_shared>> -> memref<128x128xf32, #tpu.memory_space<vmem_shared>>
      tpu.wait_dma2 semaphore(%run_scoped3A : memref<!tpu.dma_semaphore, #tpu.memory_space<semaphore_mem>>) src(%arg10 : memref<128x128xf32, #tpu.memory_space<vmem>>) dst(%dma_wait3A_83 : memref<128x128xf32, #tpu.memory_space<vmem_shared>>)
      tpu.yield
    }) : () -> ()
    %mul3A_12 = arith.constant 632 : i32
    %mul3A_13 = arith.muli %arg1, %mul3A_12 : i32
    %add3A_14 = arith.constant 128 : i32
    %add3A_15 = arith.addi %mul3A_13, %add3A_14 : i32
    "tpu.region"() ({
      %run_scoped3A = tpu.sem_alloc : memref<!tpu.dma_semaphore, #tpu.memory_space<semaphore_mem>>
      %dma_start3A = arith.constant 0 : i32
      %dma_start3A_78 = tpu.memref_slice %arg11[%add3A_15, %dma_start3A] : memref<10112x128xf32, #tpu.memory_space<vmem_shared>> -> memref<128x128xf32, #tpu.memory_space<vmem_shared>>
      %dma_start3A_79 = arith.constant 0 : i32
      %dma_start3A_80 = tpu.memref_slice %arg11[%add3A_15, %dma_start3A_79] : memref<10112x128xf32, #tpu.memory_space<vmem_shared>> -> memref<128x128xf32, #tpu.memory_space<vmem_shared>>
      tpu.enqueue_dma source(%arg10 : memref<128x128xf32, #tpu.memory_space<vmem>>) target(%dma_start3A_80 : memref<128x128xf32, #tpu.memory_space<vmem_shared>>) target_semaphore(%run_scoped3A : memref<!tpu.dma_semaphore, #tpu.memory_space<semaphore_mem>>)
      %dma_wait3A = arith.constant 0 : i32
      %dma_wait3A_81 = tpu.memref_slice %arg11[%add3A_15, %dma_wait3A] : memref<10112x128xf32, #tpu.memory_space<vmem_shared>> -> memref<128x128xf32, #tpu.memory_space<vmem_shared>>
      %dma_wait3A_82 = arith.constant 0 : i32
      %dma_wait3A_83 = tpu.memref_slice %arg11[%add3A_15, %dma_wait3A_82] : memref<10112x128xf32, #tpu.memory_space<vmem_shared>> -> memref<128x128xf32, #tpu.memory_space<vmem_shared>>
      tpu.wait_dma2 semaphore(%run_scoped3A : memref<!tpu.dma_semaphore, #tpu.memory_space<semaphore_mem>>) src(%arg10 : memref<128x128xf32, #tpu.memory_space<vmem>>) dst(%dma_wait3A_83 : memref<128x128xf32, #tpu.memory_space<vmem_shared>>)
      tpu.yield
    }) : () -> ()
    %mul3A_16 = arith.constant 632 : i32
    %mul3A_17 = arith.muli %arg1, %mul3A_16 : i32
    %add3A_18 = arith.constant 256 : i32
    %add3A_19 = arith.addi %mul3A_17, %add3A_18 : i32
    "tpu.region"() ({
      %run_scoped3A = tpu.sem_alloc : memref<!tpu.dma_semaphore, #tpu.memory_space<semaphore_mem>>
      %dma_start3A = arith.constant 0 : i32
      %dma_start3A_78 = tpu.memref_slice %arg11[%add3A_19, %dma_start3A] : memref<10112x128xf32, #tpu.memory_space<vmem_shared>> -> memref<128x128xf32, #tpu.memory_space<vmem_shared>>
      %dma_start3A_79 = arith.constant 0 : i32
      %dma_start3A_80 = tpu.memref_slice %arg11[%add3A_19, %dma_start3A_79] : memref<10112x128xf32, #tpu.memory_space<vmem_shared>> -> memref<128x128xf32, #tpu.memory_space<vmem_shared>>
      tpu.enqueue_dma source(%arg10 : memref<128x128xf32, #tpu.memory_space<vmem>>) target(%dma_start3A_80 : memref<128x128xf32, #tpu.memory_space<vmem_shared>>) target_semaphore(%run_scoped3A : memref<!tpu.dma_semaphore, #tpu.memory_space<semaphore_mem>>)
      %dma_wait3A = arith.constant 0 : i32
      %dma_wait3A_81 = tpu.memref_slice %arg11[%add3A_19, %dma_wait3A] : memref<10112x128xf32, #tpu.memory_space<vmem_shared>> -> memref<128x128xf32, #tpu.memory_space<vmem_shared>>
      %dma_wait3A_82 = arith.constant 0 : i32
      %dma_wait3A_83 = tpu.memref_slice %arg11[%add3A_19, %dma_wait3A_82] : memref<10112x128xf32, #tpu.memory_space<vmem_shared>> -> memref<128x128xf32, #tpu.memory_space<vmem_shared>>
      tpu.wait_dma2 semaphore(%run_scoped3A : memref<!tpu.dma_semaphore, #tpu.memory_space<semaphore_mem>>) src(%arg10 : memref<128x128xf32, #tpu.memory_space<vmem>>) dst(%dma_wait3A_83 : memref<128x128xf32, #tpu.memory_space<vmem_shared>>)
      tpu.yield
    }) : () -> ()
    %mul3A_20 = arith.constant 632 : i32
    %mul3A_21 = arith.muli %arg1, %mul3A_20 : i32
    %add3A_22 = arith.constant 384 : i32
    %add3A_23 = arith.addi %mul3A_21, %add3A_22 : i32
    "tpu.region"() ({
      %run_scoped3A = tpu.sem_alloc : memref<!tpu.dma_semaphore, #tpu.memory_space<semaphore_mem>>
      %dma_start3A = arith.constant 0 : i32
      %dma_start3A_78 = tpu.memref_slice %arg11[%add3A_23, %dma_start3A] : memref<10112x128xf32, #tpu.memory_space<vmem_shared>> -> memref<128x128xf32, #tpu.memory_space<vmem_shared>>
      %dma_start3A_79 = arith.constant 0 : i32
      %dma_start3A_80 = tpu.memref_slice %arg11[%add3A_23, %dma_start3A_79] : memref<10112x128xf32, #tpu.memory_space<vmem_shared>> -> memref<128x128xf32, #tpu.memory_space<vmem_shared>>
      tpu.enqueue_dma source(%arg10 : memref<128x128xf32, #tpu.memory_space<vmem>>) target(%dma_start3A_80 : memref<128x128xf32, #tpu.memory_space<vmem_shared>>) target_semaphore(%run_scoped3A : memref<!tpu.dma_semaphore, #tpu.memory_space<semaphore_mem>>)
      %dma_wait3A = arith.constant 0 : i32
      %dma_wait3A_81 = tpu.memref_slice %arg11[%add3A_23, %dma_wait3A] : memref<10112x128xf32, #tpu.memory_space<vmem_shared>> -> memref<128x128xf32, #tpu.memory_space<vmem_shared>>
      %dma_wait3A_82 = arith.constant 0 : i32
      %dma_wait3A_83 = tpu.memref_slice %arg11[%add3A_23, %dma_wait3A_82] : memref<10112x128xf32, #tpu.memory_space<vmem_shared>> -> memref<128x128xf32, #tpu.memory_space<vmem_shared>>
      tpu.wait_dma2 semaphore(%run_scoped3A : memref<!tpu.dma_semaphore, #tpu.memory_space<semaphore_mem>>) src(%arg10 : memref<128x128xf32, #tpu.memory_space<vmem>>) dst(%dma_wait3A_83 : memref<128x128xf32, #tpu.memory_space<vmem_shared>>)
      tpu.yield
    }) : () -> ()
    %mul3A_24 = arith.constant 632 : i32
    %mul3A_25 = arith.muli %arg1, %mul3A_24 : i32
    %add3A_26 = arith.constant 512 : i32
    %add3A_27 = arith.addi %mul3A_25, %add3A_26 : i32
    "tpu.region"() ({
      %run_scoped3A = tpu.sem_alloc : memref<!tpu.dma_semaphore, #tpu.memory_space<semaphore_mem>>
      %dma_start3A = arith.constant 0 : i32
      %dma_start3A_78 = arith.constant 0 : i32
      %dma_start3A_79 = tpu.memref_slice %arg10[%dma_start3A, %dma_start3A_78] : memref<128x128xf32, #tpu.memory_space<vmem>> -> memref<120x128xf32, #tpu.memory_space<vmem>>
      %dma_start3A_80 = arith.constant 0 : i32
      %dma_start3A_81 = tpu.memref_slice %arg11[%add3A_27, %dma_start3A_80] : memref<10112x128xf32, #tpu.memory_space<vmem_shared>> -> memref<120x128xf32, #tpu.memory_space<vmem_shared>>
      %dma_start3A_82 = arith.constant 0 : i32
      %dma_start3A_83 = tpu.memref_slice %arg11[%add3A_27, %dma_start3A_82] : memref<10112x128xf32, #tpu.memory_space<vmem_shared>> -> memref<120x128xf32, #tpu.memory_space<vmem_shared>>
      %dma_start3A_84 = arith.constant 0 : i32
      %dma_start3A_85 = arith.constant 0 : i32
      %dma_start3A_86 = tpu.memref_slice %arg10[%dma_start3A_84, %dma_start3A_85] : memref<128x128xf32, #tpu.memory_space<vmem>> -> memref<120x128xf32, #tpu.memory_space<vmem>>
      tpu.enqueue_dma source(%dma_start3A_86 : memref<120x128xf32, #tpu.memory_space<vmem>>) target(%dma_start3A_83 : memref<120x128xf32, #tpu.memory_space<vmem_shared>>) target_semaphore(%run_scoped3A : memref<!tpu.dma_semaphore, #tpu.memory_space<semaphore_mem>>)
      %dma_wait3A = arith.constant 0 : i32
      %dma_wait3A_87 = arith.constant 0 : i32
      %dma_wait3A_88 = tpu.memref_slice %arg10[%dma_wait3A, %dma_wait3A_87] : memref<128x128xf32, #tpu.memory_space<vmem>> -> memref<120x128xf32, #tpu.memory_space<vmem>>
      %dma_wait3A_89 = arith.constant 0 : i32
      %dma_wait3A_90 = tpu.memref_slice %arg11[%add3A_27, %dma_wait3A_89] : memref<10112x128xf32, #tpu.memory_space<vmem_shared>> -> memref<120x128xf32, #tpu.memory_space<vmem_shared>>
      %dma_wait3A_91 = arith.constant 0 : i32
      %dma_wait3A_92 = tpu.memref_slice %arg11[%add3A_27, %dma_wait3A_91] : memref<10112x128xf32, #tpu.memory_space<vmem_shared>> -> memref<120x128xf32, #tpu.memory_space<vmem_shared>>
      %dma_wait3A_93 = arith.constant 0 : i32
      %dma_wait3A_94 = arith.constant 0 : i32
      %dma_wait3A_95 = tpu.memref_slice %arg10[%dma_wait3A_93, %dma_wait3A_94] : memref<128x128xf32, #tpu.memory_space<vmem>> -> memref<120x128xf32, #tpu.memory_space<vmem>>
      tpu.wait_dma2 semaphore(%run_scoped3A : memref<!tpu.dma_semaphore, #tpu.memory_space<semaphore_mem>>) src(%dma_wait3A_95 : memref<120x128xf32, #tpu.memory_space<vmem>>) dst(%dma_wait3A_92 : memref<120x128xf32, #tpu.memory_space<vmem_shared>>)
      tpu.yield
    }) : () -> ()
    %barrier3A = arith.constant 0 : index
    tpu.barrier barrier_id(%barrier3A)
    %iota3A = tpu.iota {dimensions = array<i32: 0>} : vector<16xi32>
    %add3A_28 = arith.constant 0 : i32
    %add3A_29 = vector.broadcast %add3A_28 : i32 to vector<16xi32>
    %add3A_30 = arith.addi %iota3A, %add3A_29 : vector<16xi32>
    %shift_right_arithmetic3A = arith.constant 3 : i32
    %shift_right_arithmetic3A_31 = vector.broadcast %shift_right_arithmetic3A : i32 to vector<16xi32>
    %shift_right_arithmetic3A_32 = arith.shrsi %add3A_30, %shift_right_arithmetic3A_31 : vector<16xi32>
    %add3A_33 = arith.constant 16 : i32
    %add3A_34 = vector.broadcast %add3A_33 : i32 to vector<16xi32>
    %add3A_35 = arith.addi %iota3A, %add3A_34 : vector<16xi32>
    %shift_right_arithmetic3A_36 = arith.constant 3 : i32
    %shift_right_arithmetic3A_37 = vector.broadcast %shift_right_arithmetic3A_36 : i32 to vector<16xi32>
    %shift_right_arithmetic3A_38 = arith.shrsi %add3A_35, %shift_right_arithmetic3A_37 : vector<16xi32>
    %add3A_39 = arith.constant 32 : i32
    %add3A_40 = vector.broadcast %add3A_39 : i32 to vector<16xi32>
    %add3A_41 = arith.addi %iota3A, %add3A_40 : vector<16xi32>
    %shift_right_arithmetic3A_42 = arith.constant 3 : i32
    %shift_right_arithmetic3A_43 = vector.broadcast %shift_right_arithmetic3A_42 : i32 to vector<16xi32>
    %shift_right_arithmetic3A_44 = arith.shrsi %add3A_41, %shift_right_arithmetic3A_43 : vector<16xi32>
    %add3A_45 = arith.constant 48 : i32
    %add3A_46 = vector.broadcast %add3A_45 : i32 to vector<16xi32>
    %add3A_47 = arith.addi %iota3A, %add3A_46 : vector<16xi32>
    %shift_right_arithmetic3A_48 = arith.constant 3 : i32
    %shift_right_arithmetic3A_49 = vector.broadcast %shift_right_arithmetic3A_48 : i32 to vector<16xi32>
    %shift_right_arithmetic3A_50 = arith.shrsi %add3A_47, %shift_right_arithmetic3A_49 : vector<16xi32>
    %scan3A_51 = arith.constant 0 : i32
    %scan3A_52 = arith.constant 0 : i32
    %scan3A_53 = arith.constant 79 : i32
    %scan3A_54 = arith.addi %scan3A_52, %scan3A_53 : i32
    %scan3A_55 = arith.constant 1 : i32
    scf.for %scan3A_78 = %scan3A_52 to %scan3A_54 step %scan3A_55  : i32 {
      %mul3A_79 = arith.constant 128 : i32
      %mul3A_80 = arith.muli %scan3A_78, %mul3A_79 : i32
      %add3A_81 = arith.addi %mul3A_2, %mul3A_80 : i32
      "tpu.region"() ({
        %run_scoped3A = tpu.sem_alloc : memref<!tpu.dma_semaphore, #tpu.memory_space<semaphore_mem>>
        %dma_start3A_98 = tpu.memref_slice %arg3[%add3A_81] : memref<323584xi32, #tpu.memory_space<hbm>> -> memref<128xi32, #tpu.memory_space<hbm>>
        %dma_start3A_99 = tpu.memref_slice %arg3[%add3A_81] : memref<323584xi32, #tpu.memory_space<hbm>> -> memref<128xi32, #tpu.memory_space<hbm>>
        tpu.enqueue_dma source(%dma_start3A_99 : memref<128xi32, #tpu.memory_space<hbm>>) target(%arg6 : memref<128xi32, #tpu.memory_space<vmem>>) target_semaphore(%run_scoped3A : memref<!tpu.dma_semaphore, #tpu.memory_space<semaphore_mem>>)
        %dma_wait3A_100 = tpu.memref_slice %arg3[%add3A_81] : memref<323584xi32, #tpu.memory_space<hbm>> -> memref<128xi32, #tpu.memory_space<hbm>>
        %dma_wait3A_101 = tpu.memref_slice %arg3[%add3A_81] : memref<323584xi32, #tpu.memory_space<hbm>> -> memref<128xi32, #tpu.memory_space<hbm>>
        tpu.wait_dma2 semaphore(%run_scoped3A : memref<!tpu.dma_semaphore, #tpu.memory_space<semaphore_mem>>) src(%dma_wait3A_101 : memref<128xi32, #tpu.memory_space<hbm>>) dst(%arg6 : memref<128xi32, #tpu.memory_space<vmem>>)
        tpu.yield
      }) : () -> ()
      "tpu.region"() ({
        %run_scoped3A = tpu.sem_alloc : memref<!tpu.dma_semaphore, #tpu.memory_space<semaphore_mem>>
        %dma_start3A_98 = tpu.memref_slice %arg4[%add3A_81] : memref<323584xi32, #tpu.memory_space<hbm>> -> memref<128xi32, #tpu.memory_space<hbm>>
        %dma_start3A_99 = tpu.memref_slice %arg4[%add3A_81] : memref<323584xi32, #tpu.memory_space<hbm>> -> memref<128xi32, #tpu.memory_space<hbm>>
        tpu.enqueue_dma source(%dma_start3A_99 : memref<128xi32, #tpu.memory_space<hbm>>) target(%arg7 : memref<128xi32, #tpu.memory_space<vmem>>) target_semaphore(%run_scoped3A : memref<!tpu.dma_semaphore, #tpu.memory_space<semaphore_mem>>)
        %dma_wait3A_100 = tpu.memref_slice %arg4[%add3A_81] : memref<323584xi32, #tpu.memory_space<hbm>> -> memref<128xi32, #tpu.memory_space<hbm>>
        %dma_wait3A_101 = tpu.memref_slice %arg4[%add3A_81] : memref<323584xi32, #tpu.memory_space<hbm>> -> memref<128xi32, #tpu.memory_space<hbm>>
        tpu.wait_dma2 semaphore(%run_scoped3A : memref<!tpu.dma_semaphore, #tpu.memory_space<semaphore_mem>>) src(%dma_wait3A_101 : memref<128xi32, #tpu.memory_space<hbm>>) dst(%arg7 : memref<128xi32, #tpu.memory_space<vmem>>)
        tpu.yield
      }) : () -> ()
      %dma_start3A = arith.constant 0 : i32
      %dma_start3A_82 = arith.constant 0 : i32
      %dma_start3A_83 = tpu.memref_slice %arg2[%dma_start3A, %dma_start3A_82] : memref<10112x128xf32, #tpu.memory_space<hbm>> -> memref<10112x128xf32, #tpu.memory_space<hbm>>
      tpu.enqueue_indirect_dma source(%dma_start3A_83 : memref<10112x128xf32, #tpu.memory_space<hbm>>) target(%arg8 : memref<128x128xf32, #tpu.memory_space<vmem>>) offsets(%arg6 : memref<128xi32, #tpu.memory_space<vmem>>) semaphore(%arg12 : memref<!tpu.dma_semaphore, #tpu.memory_space<semaphore_mem>>)
      %dma_start3A_84 = arith.constant 0 : i32
      %dma_start3A_85 = arith.constant 0 : i32
      %dma_start3A_86 = tpu.memref_slice %arg2[%dma_start3A_84, %dma_start3A_85] : memref<10112x128xf32, #tpu.memory_space<hbm>> -> memref<10112x128xf32, #tpu.memory_space<hbm>>
      tpu.enqueue_indirect_dma source(%dma_start3A_86 : memref<10112x128xf32, #tpu.memory_space<hbm>>) target(%arg9 : memref<128x128xf32, #tpu.memory_space<vmem>>) offsets(%arg7 : memref<128xi32, #tpu.memory_space<vmem>>) semaphore(%arg13 : memref<!tpu.dma_semaphore, #tpu.memory_space<semaphore_mem>>)
      %dma_wait3A = arith.constant 0 : i32
      %dma_wait3A_87 = arith.constant 0 : i32
      %dma_wait3A_88 = tpu.memref_slice %arg2[%dma_wait3A, %dma_wait3A_87] : memref<10112x128xf32, #tpu.memory_space<hbm>> -> memref<10112x128xf32, #tpu.memory_space<hbm>>
      tpu.wait_indirect_dma semaphore(%arg12 : memref<!tpu.dma_semaphore, #tpu.memory_space<semaphore_mem>>) src(%dma_wait3A_88 : memref<10112x128xf32, #tpu.memory_space<hbm>>) dst(%arg8 : memref<128x128xf32, #tpu.memory_space<vmem>>)
      %dma_wait3A_89 = arith.constant 0 : i32
      %dma_wait3A_90 = arith.constant 0 : i32
      %dma_wait3A_91 = tpu.memref_slice %arg2[%dma_wait3A_89, %dma_wait3A_90] : memref<10112x128xf32, #tpu.memory_space<hbm>> -> memref<10112x128xf32, #tpu.memory_space<hbm>>
      tpu.wait_indirect_dma semaphore(%arg13 : memref<!tpu.dma_semaphore, #tpu.memory_space<semaphore_mem>>) src(%dma_wait3A_91 : memref<10112x128xf32, #tpu.memory_space<hbm>>) dst(%arg9 : memref<128x128xf32, #tpu.memory_space<vmem>>)
      %scan3A_92 = arith.constant 0 : i32
      %scan3A_93 = arith.constant 0 : i32
      %scan3A_94 = arith.constant 128 : i32
      %scan3A_95 = arith.addi %scan3A_93, %scan3A_94 : i32
      %scan3A_96 = arith.constant 1 : i32
      scf.for %scan3A_98 = %scan3A_93 to %scan3A_95 step %scan3A_96  : i32 {
        %get3A = arith.index_cast %scan3A_98 : i32 to index
        %get3A_99 = arith.constant 64 : index
        %get3A_100 = tpu.vector_load %arg8[%get3A, %get3A_99] {strides = array<i32>} : memref<128x128xf32, #tpu.memory_space<vmem>>, vector<1x16xf32>,
        %get3A_101 = vector.shape_cast %get3A_100 : vector<1x16xf32> to vector<16xf32>
        %get3A_102 = arith.index_cast %scan3A_98 : i32 to index
        %get3A_103 = arith.constant 80 : index
        %get3A_104 = tpu.vector_load %arg9[%get3A_102, %get3A_103] {strides = array<i32>} : memref<128x128xf32, #tpu.memory_space<vmem>>, vector<1x16xf32>,
        %get3A_105 = vector.shape_cast %get3A_104 : vector<1x16xf32> to vector<16xf32>
        %add3A_106 = arith.addf %get3A_101, %get3A_105 : vector<16xf32>
        %mul3A_107 = arith.constant 2.000000e-01 : f32
        %mul3A_108 = vector.broadcast %mul3A_107 : f32 to vector<16xf32>
        %mul3A_109 = arith.mulf %mul3A_108, %add3A_106 : vector<16xf32>
        %max3A = arith.maximumf %add3A_106, %mul3A_109 : vector<16xf32>
        %exp3A = math.exp %max3A : vector<16xf32>
        %broadcast_in_dim3A = vector.shape_cast %shift_right_arithmetic3A_32 : vector<16xi32> to vector<16x1xi32>
        %gather3A = vector.shape_cast %broadcast_in_dim3A : vector<16x1xi32> to vector<16xi32>
        %gather3A_110 = tpu.dynamic_gather %exp3A[%gather3A] in [0] : vector<16xf32>, vector<16xi32> -> vector<16xf32>
        %get3A_111 = arith.index_cast %scan3A_98 : i32 to index
        %get3A_112 = arith.constant 0 : index
        %get3A_113 = tpu.vector_load %arg8[%get3A_111, %get3A_112] {strides = array<i32>} : memref<128x128xf32, #tpu.memory_space<vmem>>, vector<1x16xf32>,
        %get3A_114 = vector.shape_cast %get3A_113 : vector<1x16xf32> to vector<16xf32>
        %mul3A_115 = arith.mulf %get3A_114, %gather3A_110 : vector<16xf32>
        %swap3A = arith.index_cast %scan3A_98 : i32 to index
        %swap3A_116 = arith.constant 0 : index
        %swap3A_117 = tpu.vector_load %arg10[%swap3A, %swap3A_116] {strides = array<i32>} : memref<128x128xf32, #tpu.memory_space<vmem>>, vector<1x16xf32>,
        %swap3A_118 = vector.shape_cast %swap3A_117 : vector<1x16xf32> to vector<16xf32>
        %swap3A_119 = vector.shape_cast %mul3A_115 : vector<16xf32> to vector<1x16xf32>
        tpu.vector_store %arg10[%swap3A, %swap3A_116], %swap3A_119 {strides = array<i32>} : memref<128x128xf32, #tpu.memory_space<vmem>>, vector<1x16xf32>,
        %broadcast_in_dim3A_120 = vector.shape_cast %shift_right_arithmetic3A_38 : vector<16xi32> to vector<16x1xi32>
        %gather3A_121 = vector.shape_cast %broadcast_in_dim3A_120 : vector<16x1xi32> to vector<16xi32>
        %gather3A_122 = tpu.dynamic_gather %exp3A[%gather3A_121] in [0] : vector<16xf32>, vector<16xi32> -> vector<16xf32>
        %get3A_123 = arith.index_cast %scan3A_98 : i32 to index
        %get3A_124 = arith.constant 16 : index
        %get3A_125 = tpu.vector_load %arg8[%get3A_123, %get3A_124] {strides = array<i32>} : memref<128x128xf32, #tpu.memory_space<vmem>>, vector<1x16xf32>,
        %get3A_126 = vector.shape_cast %get3A_125 : vector<1x16xf32> to vector<16xf32>
        %mul3A_127 = arith.mulf %get3A_126, %gather3A_122 : vector<16xf32>
        %swap3A_128 = arith.index_cast %scan3A_98 : i32 to index
        %swap3A_129 = arith.constant 16 : index
        %swap3A_130 = tpu.vector_load %arg10[%swap3A_128, %swap3A_129] {strides = array<i32>} : memref<128x128xf32, #tpu.memory_space<vmem>>, vector<1x16xf32>,
        %swap3A_131 = vector.shape_cast %swap3A_130 : vector<1x16xf32> to vector<16xf32>
        %swap3A_132 = vector.shape_cast %mul3A_127 : vector<16xf32> to vector<1x16xf32>
        tpu.vector_store %arg10[%swap3A_128, %swap3A_129], %swap3A_132 {strides = array<i32>} : memref<128x128xf32, #tpu.memory_space<vmem>>, vector<1x16xf32>,
        %broadcast_in_dim3A_133 = vector.shape_cast %shift_right_arithmetic3A_44 : vector<16xi32> to vector<16x1xi32>
        %gather3A_134 = vector.shape_cast %broadcast_in_dim3A_133 : vector<16x1xi32> to vector<16xi32>
        %gather3A_135 = tpu.dynamic_gather %exp3A[%gather3A_134] in [0] : vector<16xf32>, vector<16xi32> -> vector<16xf32>
        %get3A_136 = arith.index_cast %scan3A_98 : i32 to index
        %get3A_137 = arith.constant 32 : index
        %get3A_138 = tpu.vector_load %arg8[%get3A_136, %get3A_137] {strides = array<i32>} : memref<128x128xf32, #tpu.memory_space<vmem>>, vector<1x16xf32>,
        %get3A_139 = vector.shape_cast %get3A_138 : vector<1x16xf32> to vector<16xf32>
        %mul3A_140 = arith.mulf %get3A_139, %gather3A_135 : vector<16xf32>
        %swap3A_141 = arith.index_cast %scan3A_98 : i32 to index
        %swap3A_142 = arith.constant 32 : index
        %swap3A_143 = tpu.vector_load %arg10[%swap3A_141, %swap3A_142] {strides = array<i32>} : memref<128x128xf32, #tpu.memory_space<vmem>>, vector<1x16xf32>,
        %swap3A_144 = vector.shape_cast %swap3A_143 : vector<1x16xf32> to vector<16xf32>
        %swap3A_145 = vector.shape_cast %mul3A_140 : vector<16xf32> to vector<1x16xf32>
        tpu.vector_store %arg10[%swap3A_141, %swap3A_142], %swap3A_145 {strides = array<i32>} : memref<128x128xf32, #tpu.memory_space<vmem>>, vector<1x16xf32>,
        %broadcast_in_dim3A_146 = vector.shape_cast %shift_right_arithmetic3A_50 : vector<16xi32> to vector<16x1xi32>
        %gather3A_147 = vector.shape_cast %broadcast_in_dim3A_146 : vector<16x1xi32> to vector<16xi32>
        %gather3A_148 = tpu.dynamic_gather %exp3A[%gather3A_147] in [0] : vector<16xf32>, vector<16xi32> -> vector<16xf32>
        %get3A_149 = arith.index_cast %scan3A_98 : i32 to index
        %get3A_150 = arith.constant 48 : index
        %get3A_151 = tpu.vector_load %arg8[%get3A_149, %get3A_150] {strides = array<i32>} : memref<128x128xf32, #tpu.memory_space<vmem>>, vector<1x16xf32>,
        %get3A_152 = vector.shape_cast %get3A_151 : vector<1x16xf32> to vector<16xf32>
        %mul3A_153 = arith.mulf %get3A_152, %gather3A_148 : vector<16xf32>
        %swap3A_154 = arith.index_cast %scan3A_98 : i32 to index
        %swap3A_155 = arith.constant 48 : index
        %swap3A_156 = tpu.vector_load %arg10[%swap3A_154, %swap3A_155] {strides = array<i32>} : memref<128x128xf32, #tpu.memory_space<vmem>>, vector<1x16xf32>,
        %swap3A_157 = vector.shape_cast %swap3A_156 : vector<1x16xf32> to vector<16xf32>
        %swap3A_158 = vector.shape_cast %mul3A_153 : vector<16xf32> to vector<1x16xf32>
        tpu.vector_store %arg10[%swap3A_154, %swap3A_155], %swap3A_158 {strides = array<i32>} : memref<128x128xf32, #tpu.memory_space<vmem>>, vector<1x16xf32>,
        %swap3A_159 = arith.index_cast %scan3A_98 : i32 to index
        %swap3A_160 = arith.constant 64 : index
        %swap3A_161 = tpu.vector_load %arg10[%swap3A_159, %swap3A_160] {strides = array<i32>} : memref<128x128xf32, #tpu.memory_space<vmem>>, vector<1x16xf32>,
        %swap3A_162 = vector.shape_cast %swap3A_161 : vector<1x16xf32> to vector<16xf32>
        %swap3A_163 = vector.shape_cast %exp3A : vector<16xf32> to vector<1x16xf32>
        tpu.vector_store %arg10[%swap3A_159, %swap3A_160], %swap3A_163 {strides = array<i32>} : memref<128x128xf32, #tpu.memory_space<vmem>>, vector<1x16xf32>,
      }
      %scan3A_97 = arith.constant 128 : i32
      "tpu.region"() ({
        %run_scoped3A = tpu.sem_alloc : memref<!tpu.dma_semaphore, #tpu.memory_space<semaphore_mem>>
        %dma_start3A_98 = arith.constant 0 : i32
        %dma_start3A_99 = arith.constant 0 : i32
        %dma_start3A_100 = tpu.memref_slice %arg11[%dma_start3A_98, %dma_start3A_99] : memref<10112x128xf32, #tpu.memory_space<vmem_shared>> -> memref<10112x128xf32, #tpu.memory_space<vmem_shared>>
        tpu.enqueue_indirect_dma source(%arg10 : memref<128x128xf32, #tpu.memory_space<vmem>>) target(%dma_start3A_100 : memref<10112x128xf32, #tpu.memory_space<vmem_shared>>) offsets(%arg7 : memref<128xi32, #tpu.memory_space<vmem>>) semaphore(%run_scoped3A : memref<!tpu.dma_semaphore, #tpu.memory_space<semaphore_mem>>) {add = true}
        %dma_wait3A_101 = arith.constant 0 : i32
        %dma_wait3A_102 = arith.constant 0 : i32
        %dma_wait3A_103 = tpu.memref_slice %arg11[%dma_wait3A_101, %dma_wait3A_102] : memref<10112x128xf32, #tpu.memory_space<vmem_shared>> -> memref<10112x128xf32, #tpu.memory_space<vmem_shared>>
        tpu.wait_indirect_dma semaphore(%run_scoped3A : memref<!tpu.dma_semaphore, #tpu.memory_space<semaphore_mem>>) src(%arg10 : memref<128x128xf32, #tpu.memory_space<vmem>>) dst(%dma_wait3A_103 : memref<10112x128xf32, #tpu.memory_space<vmem_shared>>)
        tpu.yield
      }) : () -> ()
    }
    %scan3A_56 = arith.constant 79 : i32
    %barrier3A_57 = arith.constant 0 : index
    tpu.barrier barrier_id(%barrier3A_57)
    %mul3A_58 = arith.constant 632 : i32
    %mul3A_59 = arith.muli %arg1, %mul3A_58 : i32
    %add3A_60 = arith.constant 0 : i32
    %add3A_61 = arith.addi %mul3A_59, %add3A_60 : i32
    "tpu.region"() ({
      %run_scoped3A = tpu.sem_alloc : memref<!tpu.dma_semaphore, #tpu.memory_space<semaphore_mem>>
      %dma_start3A = arith.constant 0 : i32
      %dma_start3A_78 = tpu.memref_slice %arg5[%arg0, %add3A_61, %dma_start3A] : memref<2x10112x128xf32, #tpu.memory_space<hbm>> -> memref<1x128x128xf32, #tpu.memory_space<hbm>>
      %dma_start3A_79 = tpu.memref_squeeze %dma_start3A_78 : memref<1x128x128xf32, #tpu.memory_space<hbm>> -> memref<128x128xf32, #tpu.memory_space<hbm>>
      %dma_start3A_80 = arith.constant 0 : i32
      %dma_start3A_81 = tpu.memref_slice %arg11[%add3A_61, %dma_start3A_80] : memref<10112x128xf32, #tpu.memory_space<vmem_shared>> -> memref<128x128xf32, #tpu.memory_space<vmem_shared>>
      tpu.enqueue_dma source(%dma_start3A_81 : memref<128x128xf32, #tpu.memory_space<vmem_shared>>) target(%dma_start3A_79 : memref<128x128xf32, #tpu.memory_space<hbm>>) target_semaphore(%run_scoped3A : memref<!tpu.dma_semaphore, #tpu.memory_space<semaphore_mem>>)
      %dma_wait3A = arith.constant 0 : i32
      %dma_wait3A_82 = tpu.memref_slice %arg5[%arg0, %add3A_61, %dma_wait3A] : memref<2x10112x128xf32, #tpu.memory_space<hbm>> -> memref<1x128x128xf32, #tpu.memory_space<hbm>>
      %dma_wait3A_83 = tpu.memref_squeeze %dma_wait3A_82 : memref<1x128x128xf32, #tpu.memory_space<hbm>> -> memref<128x128xf32, #tpu.memory_space<hbm>>
      %dma_wait3A_84 = arith.constant 0 : i32
      %dma_wait3A_85 = tpu.memref_slice %arg11[%add3A_61, %dma_wait3A_84] : memref<10112x128xf32, #tpu.memory_space<vmem_shared>> -> memref<128x128xf32, #tpu.memory_space<vmem_shared>>
      tpu.wait_dma2 semaphore(%run_scoped3A : memref<!tpu.dma_semaphore, #tpu.memory_space<semaphore_mem>>) src(%dma_wait3A_85 : memref<128x128xf32, #tpu.memory_space<vmem_shared>>) dst(%dma_wait3A_83 : memref<128x128xf32, #tpu.memory_space<hbm>>)
      tpu.yield
    }) : () -> ()
    %mul3A_62 = arith.constant 632 : i32
    %mul3A_63 = arith.muli %arg1, %mul3A_62 : i32
    %add3A_64 = arith.constant 128 : i32
    %add3A_65 = arith.addi %mul3A_63, %add3A_64 : i32
    "tpu.region"() ({
      %run_scoped3A = tpu.sem_alloc : memref<!tpu.dma_semaphore, #tpu.memory_space<semaphore_mem>>
      %dma_start3A = arith.constant 0 : i32
      %dma_start3A_78 = tpu.memref_slice %arg5[%arg0, %add3A_65, %dma_start3A] : memref<2x10112x128xf32, #tpu.memory_space<hbm>> -> memref<1x128x128xf32, #tpu.memory_space<hbm>>
      %dma_start3A_79 = tpu.memref_squeeze %dma_start3A_78 : memref<1x128x128xf32, #tpu.memory_space<hbm>> -> memref<128x128xf32, #tpu.memory_space<hbm>>
      %dma_start3A_80 = arith.constant 0 : i32
      %dma_start3A_81 = tpu.memref_slice %arg11[%add3A_65, %dma_start3A_80] : memref<10112x128xf32, #tpu.memory_space<vmem_shared>> -> memref<128x128xf32, #tpu.memory_space<vmem_shared>>
      tpu.enqueue_dma source(%dma_start3A_81 : memref<128x128xf32, #tpu.memory_space<vmem_shared>>) target(%dma_start3A_79 : memref<128x128xf32, #tpu.memory_space<hbm>>) target_semaphore(%run_scoped3A : memref<!tpu.dma_semaphore, #tpu.memory_space<semaphore_mem>>)
      %dma_wait3A = arith.constant 0 : i32
      %dma_wait3A_82 = tpu.memref_slice %arg5[%arg0, %add3A_65, %dma_wait3A] : memref<2x10112x128xf32, #tpu.memory_space<hbm>> -> memref<1x128x128xf32, #tpu.memory_space<hbm>>
      %dma_wait3A_83 = tpu.memref_squeeze %dma_wait3A_82 : memref<1x128x128xf32, #tpu.memory_space<hbm>> -> memref<128x128xf32, #tpu.memory_space<hbm>>
      %dma_wait3A_84 = arith.constant 0 : i32
      %dma_wait3A_85 = tpu.memref_slice %arg11[%add3A_65, %dma_wait3A_84] : memref<10112x128xf32, #tpu.memory_space<vmem_shared>> -> memref<128x128xf32, #tpu.memory_space<vmem_shared>>
      tpu.wait_dma2 semaphore(%run_scoped3A : memref<!tpu.dma_semaphore, #tpu.memory_space<semaphore_mem>>) src(%dma_wait3A_85 : memref<128x128xf32, #tpu.memory_space<vmem_shared>>) dst(%dma_wait3A_83 : memref<128x128xf32, #tpu.memory_space<hbm>>)
      tpu.yield
    }) : () -> ()
    %mul3A_66 = arith.constant 632 : i32
    %mul3A_67 = arith.muli %arg1, %mul3A_66 : i32
    %add3A_68 = arith.constant 256 : i32
    %add3A_69 = arith.addi %mul3A_67, %add3A_68 : i32
    "tpu.region"() ({
      %run_scoped3A = tpu.sem_alloc : memref<!tpu.dma_semaphore, #tpu.memory_space<semaphore_mem>>
      %dma_start3A = arith.constant 0 : i32
      %dma_start3A_78 = tpu.memref_slice %arg5[%arg0, %add3A_69, %dma_start3A] : memref<2x10112x128xf32, #tpu.memory_space<hbm>> -> memref<1x128x128xf32, #tpu.memory_space<hbm>>
      %dma_start3A_79 = tpu.memref_squeeze %dma_start3A_78 : memref<1x128x128xf32, #tpu.memory_space<hbm>> -> memref<128x128xf32, #tpu.memory_space<hbm>>
      %dma_start3A_80 = arith.constant 0 : i32
      %dma_start3A_81 = tpu.memref_slice %arg11[%add3A_69, %dma_start3A_80] : memref<10112x128xf32, #tpu.memory_space<vmem_shared>> -> memref<128x128xf32, #tpu.memory_space<vmem_shared>>
      tpu.enqueue_dma source(%dma_start3A_81 : memref<128x128xf32, #tpu.memory_space<vmem_shared>>) target(%dma_start3A_79 : memref<128x128xf32, #tpu.memory_space<hbm>>) target_semaphore(%run_scoped3A : memref<!tpu.dma_semaphore, #tpu.memory_space<semaphore_mem>>)
      %dma_wait3A = arith.constant 0 : i32
      %dma_wait3A_82 = tpu.memref_slice %arg5[%arg0, %add3A_69, %dma_wait3A] : memref<2x10112x128xf32, #tpu.memory_space<hbm>> -> memref<1x128x128xf32, #tpu.memory_space<hbm>>
      %dma_wait3A_83 = tpu.memref_squeeze %dma_wait3A_82 : memref<1x128x128xf32, #tpu.memory_space<hbm>> -> memref<128x128xf32, #tpu.memory_space<hbm>>
      %dma_wait3A_84 = arith.constant 0 : i32
      %dma_wait3A_85 = tpu.memref_slice %arg11[%add3A_69, %dma_wait3A_84] : memref<10112x128xf32, #tpu.memory_space<vmem_shared>> -> memref<128x128xf32, #tpu.memory_space<vmem_shared>>
      tpu.wait_dma2 semaphore(%run_scoped3A : memref<!tpu.dma_semaphore, #tpu.memory_space<semaphore_mem>>) src(%dma_wait3A_85 : memref<128x128xf32, #tpu.memory_space<vmem_shared>>) dst(%dma_wait3A_83 : memref<128x128xf32, #tpu.memory_space<hbm>>)
      tpu.yield
    }) : () -> ()
    %mul3A_70 = arith.constant 632 : i32
    %mul3A_71 = arith.muli %arg1, %mul3A_70 : i32
    %add3A_72 = arith.constant 384 : i32
    %add3A_73 = arith.addi %mul3A_71, %add3A_72 : i32
    "tpu.region"() ({
      %run_scoped3A = tpu.sem_alloc : memref<!tpu.dma_semaphore, #tpu.memory_space<semaphore_mem>>
      %dma_start3A = arith.constant 0 : i32
      %dma_start3A_78 = tpu.memref_slice %arg5[%arg0, %add3A_73, %dma_start3A] : memref<2x10112x128xf32, #tpu.memory_space<hbm>> -> memref<1x128x128xf32, #tpu.memory_space<hbm>>
      %dma_start3A_79 = tpu.memref_squeeze %dma_start3A_78 : memref<1x128x128xf32, #tpu.memory_space<hbm>> -> memref<128x128xf32, #tpu.memory_space<hbm>>
      %dma_start3A_80 = arith.constant 0 : i32
      %dma_start3A_81 = tpu.memref_slice %arg11[%add3A_73, %dma_start3A_80] : memref<10112x128xf32, #tpu.memory_space<vmem_shared>> -> memref<128x128xf32, #tpu.memory_space<vmem_shared>>
      tpu.enqueue_dma source(%dma_start3A_81 : memref<128x128xf32, #tpu.memory_space<vmem_shared>>) target(%dma_start3A_79 : memref<128x128xf32, #tpu.memory_space<hbm>>) target_semaphore(%run_scoped3A : memref<!tpu.dma_semaphore, #tpu.memory_space<semaphore_mem>>)
      %dma_wait3A = arith.constant 0 : i32
      %dma_wait3A_82 = tpu.memref_slice %arg5[%arg0, %add3A_73, %dma_wait3A] : memref<2x10112x128xf32, #tpu.memory_space<hbm>> -> memref<1x128x128xf32, #tpu.memory_space<hbm>>
      %dma_wait3A_83 = tpu.memref_squeeze %dma_wait3A_82 : memref<1x128x128xf32, #tpu.memory_space<hbm>> -> memref<128x128xf32, #tpu.memory_space<hbm>>
      %dma_wait3A_84 = arith.constant 0 : i32
      %dma_wait3A_85 = tpu.memref_slice %arg11[%add3A_73, %dma_wait3A_84] : memref<10112x128xf32, #tpu.memory_space<vmem_shared>> -> memref<128x128xf32, #tpu.memory_space<vmem_shared>>
      tpu.wait_dma2 semaphore(%run_scoped3A : memref<!tpu.dma_semaphore, #tpu.memory_space<semaphore_mem>>) src(%dma_wait3A_85 : memref<128x128xf32, #tpu.memory_space<vmem_shared>>) dst(%dma_wait3A_83 : memref<128x128xf32, #tpu.memory_space<hbm>>)
      tpu.yield
    }) : () -> ()
    %mul3A_74 = arith.constant 632 : i32
    %mul3A_75 = arith.muli %arg1, %mul3A_74 : i32
    %add3A_76 = arith.constant 512 : i32
    %add3A_77 = arith.addi %mul3A_75, %add3A_76 : i32
    "tpu.region"() ({
      %run_scoped3A = tpu.sem_alloc : memref<!tpu.dma_semaphore, #tpu.memory_space<semaphore_mem>>
      %dma_start3A = arith.constant 0 : i32
      %dma_start3A_78 = tpu.memref_slice %arg5[%arg0, %add3A_77, %dma_start3A] : memref<2x10112x128xf32, #tpu.memory_space<hbm>> -> memref<1x120x128xf32, #tpu.memory_space<hbm>>
      %dma_start3A_79 = tpu.memref_squeeze %dma_start3A_78 : memref<1x120x128xf32, #tpu.memory_space<hbm>> -> memref<120x128xf32, #tpu.memory_space<hbm>>
      %dma_start3A_80 = arith.constant 0 : i32
      %dma_start3A_81 = tpu.memref_slice %arg11[%add3A_77, %dma_start3A_80] : memref<10112x128xf32, #tpu.memory_space<vmem_shared>> -> memref<120x128xf32, #tpu.memory_space<vmem_shared>>
      tpu.enqueue_dma source(%dma_start3A_81 : memref<120x128xf32, #tpu.memory_space<vmem_shared>>) target(%dma_start3A_79 : memref<120x128xf32, #tpu.memory_space<hbm>>) target_semaphore(%run_scoped3A : memref<!tpu.dma_semaphore, #tpu.memory_space<semaphore_mem>>)
      %dma_wait3A = arith.constant 0 : i32
      %dma_wait3A_82 = tpu.memref_slice %arg5[%arg0, %add3A_77, %dma_wait3A] : memref<2x10112x128xf32, #tpu.memory_space<hbm>> -> memref<1x120x128xf32, #tpu.memory_space<hbm>>
      %dma_wait3A_83 = tpu.memref_squeeze %dma_wait3A_82 : memref<1x120x128xf32, #tpu.memory_space<hbm>> -> memref<120x128xf32, #tpu.memory_space<hbm>>
      %dma_wait3A_84 = arith.constant 0 : i32
      %dma_wait3A_85 = tpu.memref_slice %arg11[%add3A_77, %dma_wait3A_84] : memref<10112x128xf32, #tpu.memory_space<vmem_shared>> -> memref<120x128xf32, #tpu.memory_space<vmem_shared>>
      tpu.wait_dma2 semaphore(%run_scoped3A : memref<!tpu.dma_semaphore, #tpu.memory_space<semaphore_mem>>) src(%dma_wait3A_85 : memref<120x128xf32, #tpu.memory_space<vmem_shared>>) dst(%dma_wait3A_83 : memref<120x128xf32, #tpu.memory_space<hbm>>)
      tpu.yield
    }) : () -> ()
    return
  }
}

module attributes {stable_mosaic.version = 14 : i64} {
  func.func @_proj_body(%arg0: i32, %arg1: memref<2528x128xf32, #tpu.memory_space<vmem>>, %arg2: memref<128x64xf32, #tpu.memory_space<vmem>>, %arg3: memref<64x8xf32, #tpu.memory_space<vmem>>, %arg4: memref<64x8xf32, #tpu.memory_space<vmem>>, %arg5: memref<1x1xf32, #tpu.memory_space<smem>>, %arg6: memref<2528x128xf32, #tpu.memory_space<vmem>>) attributes {dimension_semantics = [#tpu.dimension_semantics<arbitrary>], iteration_bounds = array<i64: 4>, scalar_prefetch = 0 : i64, scratch_operands = 0 : i64, tpu.core_type = #tpu.core_type<tc>, window_params = [{transform_indices = @transform_0, window_bounds = array<i64: 2528, 128>}, {pipeline_mode = #tpu.pipeline_mode<synchronous>, transform_indices = @transform_1, window_bounds = array<i64: 128, 64>}, {pipeline_mode = #tpu.pipeline_mode<synchronous>, transform_indices = @transform_2, window_bounds = array<i64: 64, 8>}, {pipeline_mode = #tpu.pipeline_mode<synchronous>, transform_indices = @transform_3, window_bounds = array<i64: 64, 8>}, {transform_indices = @transform_4, window_bounds = array<i64: 1, 1>}, {transform_indices = @transform_5, window_bounds = array<i64: 2528, 128>}]} {
    %get3A = arith.constant 0 : index
    %get3A_0 = arith.constant 0 : index
    %get3A_1 = vector.load %arg1[%get3A, %get3A_0] : memref<2528x128xf32, #tpu.memory_space<vmem>>, vector<2528x128xf32>
    %get3A_2 = arith.constant 0 : index
    %get3A_3 = arith.constant 0 : index
    %get3A_4 = vector.load %arg2[%get3A_2, %get3A_3] : memref<128x64xf32, #tpu.memory_space<vmem>>, vector<128x64xf32>
    %dot_general3A = arith.constant dense<0.000000e+00> : vector<2528x64xf32>
    %dot_general3A_5 = tpu.matmul %get3A_1, %get3A_4, %dot_general3A {dimension_numbers = #tpu.dot_dimension_numbers<[1], [0], [0], [1], [0, 0, 1, 1], [], []>, transpose_lhs_hint = false} : vector<2528x128xf32>, vector<128x64xf32>, vector<2528x64xf32> -> vector<2528x64xf32>
    %get3A_6 = arith.constant 0 : index
    %get3A_7 = arith.constant 0 : index
    %get3A_8 = vector.load %arg3[%get3A_6, %get3A_7] : memref<64x8xf32, #tpu.memory_space<vmem>>, vector<64x8xf32>
    %dot_general3A_9 = arith.constant dense<0.000000e+00> : vector<2528x8xf32>
    %dot_general3A_10 = tpu.matmul %dot_general3A_5, %get3A_8, %dot_general3A_9 {dimension_numbers = #tpu.dot_dimension_numbers<[1], [0], [0], [1], [0, 0, 1, 1], [], []>, transpose_lhs_hint = false} : vector<2528x64xf32>, vector<64x8xf32>, vector<2528x8xf32> -> vector<2528x8xf32>
    %get3A_11 = arith.constant 0 : index
    %get3A_12 = arith.constant 0 : index
    %get3A_13 = vector.load %arg4[%get3A_11, %get3A_12] : memref<64x8xf32, #tpu.memory_space<vmem>>, vector<64x8xf32>
    %dot_general3A_14 = arith.constant dense<0.000000e+00> : vector<2528x8xf32>
    %dot_general3A_15 = tpu.matmul %dot_general3A_5, %get3A_13, %dot_general3A_14 {dimension_numbers = #tpu.dot_dimension_numbers<[1], [0], [0], [1], [0, 0, 1, 1], [], []>, transpose_lhs_hint = false} : vector<2528x64xf32>, vector<64x8xf32>, vector<2528x8xf32> -> vector<2528x8xf32>
    %get3A_16 = arith.constant 0 : index
    %get3A_17 = arith.constant 0 : index
    %get3A_18 = memref.load %arg5[%get3A_16, %get3A_17] : memref<1x1xf32, #tpu.memory_space<smem>>
    %add3A = vector.broadcast %get3A_18 : f32 to vector<2528x8xf32>
    %add3A_19 = arith.addf %dot_general3A_15, %add3A : vector<2528x8xf32>
    %broadcast_in_dim3A = arith.constant 0.000000e+00 : f32
    %broadcast_in_dim3A_20 = vector.broadcast %broadcast_in_dim3A : f32 to vector<2528x8xf32>
    %broadcast_in_dim3A_21 = arith.constant 0.000000e+00 : f32
    %broadcast_in_dim3A_22 = vector.broadcast %broadcast_in_dim3A_21 : f32 to vector<2528x40xf32>
    %concatenate3A = tpu.concatenate %dot_general3A_5, %dot_general3A_10, %broadcast_in_dim3A_20, %add3A_19, %broadcast_in_dim3A_22 in 1 : vector<2528x64xf32>, vector<2528x8xf32>, vector<2528x8xf32>, vector<2528x8xf32>, vector<2528x40xf32> -> vector<2528x128xf32>
    %swap3A = arith.constant 0 : index
    %swap3A_23 = arith.constant 0 : index
    %swap3A_24 = vector.load %arg6[%swap3A, %swap3A_23] : memref<2528x128xf32, #tpu.memory_space<vmem>>, vector<2528x128xf32>
    tpu.vector_store %arg6[%swap3A, %swap3A_23], %concatenate3A {strides = array<i32>} : memref<2528x128xf32, #tpu.memory_space<vmem>>, vector<2528x128xf32>,
    return
  }
  func.func @transform_0(%arg0: i32) -> (i32, i32) {
    %c0_i32 = arith.constant 0 : i32
    %c0_i32_0 = arith.constant 0 : i32
    return %arg0, %c0_i32 : i32, i32
  }
  func.func @transform_1(%arg0: i32) -> (i32, i32) {
    %c0_i32 = arith.constant 0 : i32
    %c0_i32_0 = arith.constant 0 : i32
    %c0_i32_1 = arith.constant 0 : i32
    return %c0_i32, %c0_i32_0 : i32, i32
  }
  func.func @transform_2(%arg0: i32) -> (i32, i32) {
    %c0_i32 = arith.constant 0 : i32
    %c0_i32_0 = arith.constant 0 : i32
    %c0_i32_1 = arith.constant 0 : i32
    return %c0_i32, %c0_i32_0 : i32, i32
  }
  func.func @transform_3(%arg0: i32) -> (i32, i32) {
    %c0_i32 = arith.constant 0 : i32
    %c0_i32_0 = arith.constant 0 : i32
    %c0_i32_1 = arith.constant 0 : i32
    return %c0_i32, %c0_i32_0 : i32, i32
  }
  func.func @transform_4(%arg0: i32) -> (i32, i32) {
    %c0_i32 = arith.constant 0 : i32
    %c0_i32_0 = arith.constant 0 : i32
    %c0_i32_1 = arith.constant 0 : i32
    return %c0_i32, %c0_i32_0 : i32, i32
  }
  func.func @transform_5(%arg0: i32) -> (i32, i32) {
    %c0_i32 = arith.constant 0 : i32
    %c0_i32_0 = arith.constant 0 : i32
    return %arg0, %c0_i32 : i32, i32
  }
}

module attributes {stable_mosaic.version = 14 : i64} {
  func.func @_finproj_body(%arg0: i32, %arg1: memref<64x64xf32, #tpu.memory_space<vmem>>, %arg2: memref<64x8xf32, #tpu.memory_space<vmem>>, %arg3: memref<64x8xf32, #tpu.memory_space<vmem>>, %arg4: memref<1x1xf32, #tpu.memory_space<smem>>, %arg5: memref<2528x128xf32, #tpu.memory_space<vmem>>, %arg6: memref<2528x128xf32, #tpu.memory_space<vmem>>, %arg7: memref<2528x128xf32, #tpu.memory_space<vmem>>, %arg8: memref<8x64xf32, #tpu.memory_space<vmem>>, %arg9: memref<2528x128xf32, #tpu.memory_space<vmem>>) attributes {dimension_semantics = [#tpu.dimension_semantics<arbitrary>], iteration_bounds = array<i64: 4>, scalar_prefetch = 0 : i64, scratch_operands = 0 : i64, tpu.core_type = #tpu.core_type<tc>, window_params = [{pipeline_mode = #tpu.pipeline_mode<synchronous>, transform_indices = @transform_0, window_bounds = array<i64: 64, 64>}, {pipeline_mode = #tpu.pipeline_mode<synchronous>, transform_indices = @transform_1, window_bounds = array<i64: 64, 8>}, {pipeline_mode = #tpu.pipeline_mode<synchronous>, transform_indices = @transform_2, window_bounds = array<i64: 64, 8>}, {transform_indices = @transform_3, window_bounds = array<i64: 1, 1>}, {transform_indices = @transform_4, window_bounds = array<i64: 2528, 128>}, {transform_indices = @transform_5, window_bounds = array<i64: 2528, 128>}, {transform_indices = @transform_6, window_bounds = array<i64: 2528, 128>}, {pipeline_mode = #tpu.pipeline_mode<synchronous>, transform_indices = @transform_7, window_bounds = array<i64: 8, 64>}, {transform_indices = @transform_8, window_bounds = array<i64: 2528, 128>}]} {
    %get3A = arith.constant 0 : index
    %get3A_0 = arith.constant 0 : index
    %get3A_1 = vector.load %arg7[%get3A, %get3A_0] : memref<2528x128xf32, #tpu.memory_space<vmem>>, vector<2528x64xf32>
    %get3A_2 = arith.constant 0 : index
    %get3A_3 = arith.constant 64 : index
    %get3A_4 = vector.load %arg7[%get3A_2, %get3A_3] : memref<2528x128xf32, #tpu.memory_space<vmem>>, vector<2528x8xf32>
    %get3A_5 = arith.constant 0 : index
    %get3A_6 = arith.constant 80 : index
    %get3A_7 = vector.load %arg7[%get3A_5, %get3A_6] : memref<2528x128xf32, #tpu.memory_space<vmem>>, vector<2528x8xf32>
    %add3A = arith.addf %get3A_4, %get3A_7 : vector<2528x8xf32>
    %mul3A = arith.constant 2.000000e-01 : f32
    %mul3A_8 = vector.broadcast %mul3A : f32 to vector<2528x8xf32>
    %mul3A_9 = arith.mulf %mul3A_8, %add3A : vector<2528x8xf32>
    %max3A = arith.maximumf %add3A, %mul3A_9 : vector<2528x8xf32>
    %exp3A = math.exp %max3A : vector<2528x8xf32>
    %get3A_10 = arith.constant 0 : index
    %get3A_11 = arith.constant 0 : index
    %get3A_12 = vector.load %arg5[%get3A_10, %get3A_11] : memref<2528x128xf32, #tpu.memory_space<vmem>>, vector<2528x64xf32>
    %get3A_13 = arith.constant 0 : index
    %get3A_14 = arith.constant 0 : index
    %get3A_15 = vector.load %arg6[%get3A_13, %get3A_14] : memref<2528x128xf32, #tpu.memory_space<vmem>>, vector<2528x64xf32>
    %add3A_16 = arith.addf %get3A_12, %get3A_15 : vector<2528x64xf32>
    %get3A_17 = arith.constant 0 : index
    %get3A_18 = arith.constant 64 : index
    %get3A_19 = vector.load %arg5[%get3A_17, %get3A_18] : memref<2528x128xf32, #tpu.memory_space<vmem>>, vector<2528x8xf32>
    %get3A_20 = arith.constant 0 : index
    %get3A_21 = arith.constant 64 : index
    %get3A_22 = vector.load %arg6[%get3A_20, %get3A_21] : memref<2528x128xf32, #tpu.memory_space<vmem>>, vector<2528x8xf32>
    %add3A_23 = arith.addf %get3A_19, %get3A_22 : vector<2528x8xf32>
    %add3A_24 = arith.addf %add3A_23, %exp3A : vector<2528x8xf32>
    %get3A_25 = arith.constant 0 : index
    %get3A_26 = arith.constant 0 : index
    %get3A_27 = vector.load %arg8[%get3A_25, %get3A_26] : memref<8x64xf32, #tpu.memory_space<vmem>>, vector<8x64xf32>
    %dot_general3A = arith.constant dense<0.000000e+00> : vector<2528x64xf32>
    %dot_general3A_28 = tpu.matmul %exp3A, %get3A_27, %dot_general3A {dimension_numbers = #tpu.dot_dimension_numbers<[1], [0], [0], [1], [0, 0, 1, 1], [], []>, transpose_lhs_hint = false} : vector<2528x8xf32>, vector<8x64xf32>, vector<2528x64xf32> -> vector<2528x64xf32>
    %dot_general3A_29 = arith.constant dense<0.000000e+00> : vector<2528x64xf32>
    %dot_general3A_30 = tpu.matmul %add3A_24, %get3A_27, %dot_general3A_29 {dimension_numbers = #tpu.dot_dimension_numbers<[1], [0], [0], [1], [0, 0, 1, 1], [], []>, transpose_lhs_hint = false} : vector<2528x8xf32>, vector<8x64xf32>, vector<2528x64xf32> -> vector<2528x64xf32>
    %mul3A_31 = arith.mulf %get3A_1, %dot_general3A_28 : vector<2528x64xf32>
    %add3A_32 = arith.addf %add3A_16, %mul3A_31 : vector<2528x64xf32>
    %div3A = arith.divf %add3A_32, %dot_general3A_30 : vector<2528x64xf32>
    %max3A_33 = arith.constant 0.000000e+00 : f32
    %max3A_34 = vector.broadcast %max3A_33 : f32 to vector<2528x64xf32>
    %max3A_35 = arith.maximumf %div3A, %max3A_34 : vector<2528x64xf32>
    %get3A_36 = arith.constant 0 : index
    %get3A_37 = arith.constant 0 : index
    %get3A_38 = vector.load %arg1[%get3A_36, %get3A_37] : memref<64x64xf32, #tpu.memory_space<vmem>>, vector<64x64xf32>
    %dot_general3A_39 = arith.constant dense<0.000000e+00> : vector<2528x64xf32>
    %dot_general3A_40 = tpu.matmul %max3A_35, %get3A_38, %dot_general3A_39 {dimension_numbers = #tpu.dot_dimension_numbers<[1], [0], [0], [1], [0, 0, 1, 1], [], []>, transpose_lhs_hint = false} : vector<2528x64xf32>, vector<64x64xf32>, vector<2528x64xf32> -> vector<2528x64xf32>
    %get3A_41 = arith.constant 0 : index
    %get3A_42 = arith.constant 0 : index
    %get3A_43 = vector.load %arg2[%get3A_41, %get3A_42] : memref<64x8xf32, #tpu.memory_space<vmem>>, vector<64x8xf32>
    %dot_general3A_44 = arith.constant dense<0.000000e+00> : vector<2528x8xf32>
    %dot_general3A_45 = tpu.matmul %dot_general3A_40, %get3A_43, %dot_general3A_44 {dimension_numbers = #tpu.dot_dimension_numbers<[1], [0], [0], [1], [0, 0, 1, 1], [], []>, transpose_lhs_hint = false} : vector<2528x64xf32>, vector<64x8xf32>, vector<2528x8xf32> -> vector<2528x8xf32>
    %get3A_46 = arith.constant 0 : index
    %get3A_47 = arith.constant 0 : index
    %get3A_48 = vector.load %arg3[%get3A_46, %get3A_47] : memref<64x8xf32, #tpu.memory_space<vmem>>, vector<64x8xf32>
    %dot_general3A_49 = arith.constant dense<0.000000e+00> : vector<2528x8xf32>
    %dot_general3A_50 = tpu.matmul %dot_general3A_40, %get3A_48, %dot_general3A_49 {dimension_numbers = #tpu.dot_dimension_numbers<[1], [0], [0], [1], [0, 0, 1, 1], [], []>, transpose_lhs_hint = false} : vector<2528x64xf32>, vector<64x8xf32>, vector<2528x8xf32> -> vector<2528x8xf32>
    %get3A_51 = arith.constant 0 : index
    %get3A_52 = arith.constant 0 : index
    %get3A_53 = memref.load %arg4[%get3A_51, %get3A_52] : memref<1x1xf32, #tpu.memory_space<smem>>
    %add3A_54 = vector.broadcast %get3A_53 : f32 to vector<2528x8xf32>
    %add3A_55 = arith.addf %dot_general3A_50, %add3A_54 : vector<2528x8xf32>
    %broadcast_in_dim3A = arith.constant 0.000000e+00 : f32
    %broadcast_in_dim3A_56 = vector.broadcast %broadcast_in_dim3A : f32 to vector<2528x8xf32>
    %broadcast_in_dim3A_57 = arith.constant 0.000000e+00 : f32
    %broadcast_in_dim3A_58 = vector.broadcast %broadcast_in_dim3A_57 : f32 to vector<2528x40xf32>
    %concatenate3A = tpu.concatenate %dot_general3A_40, %dot_general3A_45, %broadcast_in_dim3A_56, %add3A_55, %broadcast_in_dim3A_58 in 1 : vector<2528x64xf32>, vector<2528x8xf32>, vector<2528x8xf32>, vector<2528x8xf32>, vector<2528x40xf32> -> vector<2528x128xf32>
    %swap3A = arith.constant 0 : index
    %swap3A_59 = arith.constant 0 : index
    %swap3A_60 = vector.load %arg9[%swap3A, %swap3A_59] : memref<2528x128xf32, #tpu.memory_space<vmem>>, vector<2528x128xf32>
    tpu.vector_store %arg9[%swap3A, %swap3A_59], %concatenate3A {strides = array<i32>} : memref<2528x128xf32, #tpu.memory_space<vmem>>, vector<2528x128xf32>,
    return
  }
  func.func @transform_0(%arg0: i32) -> (i32, i32) {
    %c0_i32 = arith.constant 0 : i32
    %c0_i32_0 = arith.constant 0 : i32
    %c0_i32_1 = arith.constant 0 : i32
    return %c0_i32, %c0_i32_0 : i32, i32
  }
  func.func @transform_1(%arg0: i32) -> (i32, i32) {
    %c0_i32 = arith.constant 0 : i32
    %c0_i32_0 = arith.constant 0 : i32
    %c0_i32_1 = arith.constant 0 : i32
    return %c0_i32, %c0_i32_0 : i32, i32
  }
  func.func @transform_2(%arg0: i32) -> (i32, i32) {
    %c0_i32 = arith.constant 0 : i32
    %c0_i32_0 = arith.constant 0 : i32
    %c0_i32_1 = arith.constant 0 : i32
    return %c0_i32, %c0_i32_0 : i32, i32
  }
  func.func @transform_3(%arg0: i32) -> (i32, i32) {
    %c0_i32 = arith.constant 0 : i32
    %c0_i32_0 = arith.constant 0 : i32
    %c0_i32_1 = arith.constant 0 : i32
    return %c0_i32, %c0_i32_0 : i32, i32
  }
  func.func @transform_4(%arg0: i32) -> (i32, i32) {
    %c0_i32 = arith.constant 0 : i32
    %c0_i32_0 = arith.constant 0 : i32
    return %arg0, %c0_i32 : i32, i32
  }
  func.func @transform_5(%arg0: i32) -> (i32, i32) {
    %c0_i32 = arith.constant 0 : i32
    %c0_i32_0 = arith.constant 0 : i32
    return %arg0, %c0_i32 : i32, i32
  }
  func.func @transform_6(%arg0: i32) -> (i32, i32) {
    %c0_i32 = arith.constant 0 : i32
    %c0_i32_0 = arith.constant 0 : i32
    return %arg0, %c0_i32 : i32, i32
  }
  func.func @transform_7(%arg0: i32) -> (i32, i32) {
    %c0_i32 = arith.constant 0 : i32
    %c0_i32_0 = arith.constant 0 : i32
    %c0_i32_1 = arith.constant 0 : i32
    return %c0_i32, %c0_i32_0 : i32, i32
  }
  func.func @transform_8(%arg0: i32) -> (i32, i32) {
    %c0_i32 = arith.constant 0 : i32
    %c0_i32_0 = arith.constant 0 : i32
    return %arg0, %c0_i32 : i32, i32
  }
}

module attributes {stable_mosaic.version = 14 : i64} {
  func.func @_fin_body(%arg0: i32, %arg1: memref<2528x128xf32, #tpu.memory_space<vmem>>, %arg2: memref<2528x128xf32, #tpu.memory_space<vmem>>, %arg3: memref<2528x128xf32, #tpu.memory_space<vmem>>, %arg4: memref<1x64xf32, #tpu.memory_space<vmem>>, %arg5: memref<2528x128xf32, #tpu.memory_space<vmem>>) attributes {dimension_semantics = [#tpu.dimension_semantics<arbitrary>], iteration_bounds = array<i64: 4>, scalar_prefetch = 0 : i64, scratch_operands = 0 : i64, tpu.core_type = #tpu.core_type<tc>, window_params = [{transform_indices = @transform_0, window_bounds = array<i64: 2528, 128>}, {transform_indices = @transform_1, window_bounds = array<i64: 2528, 128>}, {transform_indices = @transform_2, window_bounds = array<i64: 2528, 128>}, {pipeline_mode = #tpu.pipeline_mode<synchronous>, transform_indices = @transform_3, window_bounds = array<i64: 1, 64>}, {transform_indices = @transform_4, window_bounds = array<i64: 2528, 128>}]} {
    %get3A = arith.constant 0 : index
    %get3A_0 = arith.constant 0 : index
    %get3A_1 = vector.load %arg3[%get3A, %get3A_0] : memref<2528x128xf32, #tpu.memory_space<vmem>>, vector<2528x64xf32>
    %get3A_2 = arith.constant 0 : index
    %get3A_3 = arith.constant 64 : index
    %get3A_4 = vector.load %arg3[%get3A_2, %get3A_3] : memref<2528x128xf32, #tpu.memory_space<vmem>>, vector<2528x1xf32>
    %get3A_5 = arith.constant 0 : index
    %get3A_6 = arith.constant 80 : index
    %get3A_7 = vector.load %arg3[%get3A_5, %get3A_6] : memref<2528x128xf32, #tpu.memory_space<vmem>>, vector<2528x1xf32>
    %add3A = arith.addf %get3A_4, %get3A_7 : vector<2528x1xf32>
    %mul3A = arith.constant 2.000000e-01 : f32
    %mul3A_8 = vector.broadcast %mul3A : f32 to vector<2528x1xf32>
    %mul3A_9 = arith.mulf %mul3A_8, %add3A : vector<2528x1xf32>
    %max3A = arith.maximumf %add3A, %mul3A_9 : vector<2528x1xf32>
    %exp3A = math.exp %max3A : vector<2528x1xf32>
    %get3A_10 = arith.constant 0 : index
    %get3A_11 = arith.constant 0 : index
    %get3A_12 = vector.load %arg1[%get3A_10, %get3A_11] : memref<2528x128xf32, #tpu.memory_space<vmem>>, vector<2528x64xf32>
    %get3A_13 = arith.constant 0 : index
    %get3A_14 = arith.constant 0 : index
    %get3A_15 = vector.load %arg2[%get3A_13, %get3A_14] : memref<2528x128xf32, #tpu.memory_space<vmem>>, vector<2528x64xf32>
    %add3A_16 = arith.addf %get3A_12, %get3A_15 : vector<2528x64xf32>
    %get3A_17 = arith.constant 0 : index
    %get3A_18 = arith.constant 64 : index
    %get3A_19 = vector.load %arg1[%get3A_17, %get3A_18] : memref<2528x128xf32, #tpu.memory_space<vmem>>, vector<2528x1xf32>
    %get3A_20 = arith.constant 0 : index
    %get3A_21 = arith.constant 64 : index
    %get3A_22 = vector.load %arg2[%get3A_20, %get3A_21] : memref<2528x128xf32, #tpu.memory_space<vmem>>, vector<2528x1xf32>
    %add3A_23 = arith.addf %get3A_19, %get3A_22 : vector<2528x1xf32>
    %add3A_24 = arith.addf %add3A_23, %exp3A : vector<2528x1xf32>
    %get3A_25 = arith.constant 0 : index
    %get3A_26 = arith.constant 0 : index
    %get3A_27 = vector.load %arg4[%get3A_25, %get3A_26] : memref<1x64xf32, #tpu.memory_space<vmem>>, vector<1x64xf32>
    %dot_general3A = arith.constant dense<0.000000e+00> : vector<2528x64xf32>
    %dot_general3A_28 = tpu.matmul %exp3A, %get3A_27, %dot_general3A {dimension_numbers = #tpu.dot_dimension_numbers<[1], [0], [0], [1], [0, 0, 1, 1], [], []>, transpose_lhs_hint = false} : vector<2528x1xf32>, vector<1x64xf32>, vector<2528x64xf32> -> vector<2528x64xf32>
    %dot_general3A_29 = arith.constant dense<0.000000e+00> : vector<2528x64xf32>
    %dot_general3A_30 = tpu.matmul %add3A_24, %get3A_27, %dot_general3A_29 {dimension_numbers = #tpu.dot_dimension_numbers<[1], [0], [0], [1], [0, 0, 1, 1], [], []>, transpose_lhs_hint = false} : vector<2528x1xf32>, vector<1x64xf32>, vector<2528x64xf32> -> vector<2528x64xf32>
    %mul3A_31 = arith.mulf %get3A_1, %dot_general3A_28 : vector<2528x64xf32>
    %add3A_32 = arith.addf %add3A_16, %mul3A_31 : vector<2528x64xf32>
    %div3A = arith.divf %add3A_32, %dot_general3A_30 : vector<2528x64xf32>
    %broadcast_in_dim3A = arith.constant 0.000000e+00 : f32
    %broadcast_in_dim3A_33 = vector.broadcast %broadcast_in_dim3A : f32 to vector<2528x64xf32>
    %concatenate3A = tpu.concatenate %div3A, %broadcast_in_dim3A_33 in 1 : vector<2528x64xf32>, vector<2528x64xf32> -> vector<2528x128xf32>
    %swap3A = arith.constant 0 : index
    %swap3A_34 = arith.constant 0 : index
    %swap3A_35 = vector.load %arg5[%swap3A, %swap3A_34] : memref<2528x128xf32, #tpu.memory_space<vmem>>, vector<2528x128xf32>
    tpu.vector_store %arg5[%swap3A, %swap3A_34], %concatenate3A {strides = array<i32>} : memref<2528x128xf32, #tpu.memory_space<vmem>>, vector<2528x128xf32>,
    return
  }
  func.func @transform_0(%arg0: i32) -> (i32, i32) {
    %c0_i32 = arith.constant 0 : i32
    %c0_i32_0 = arith.constant 0 : i32
    return %arg0, %c0_i32 : i32, i32
  }
  func.func @transform_1(%arg0: i32) -> (i32, i32) {
    %c0_i32 = arith.constant 0 : i32
    %c0_i32_0 = arith.constant 0 : i32
    return %arg0, %c0_i32 : i32, i32
  }
  func.func @transform_2(%arg0: i32) -> (i32, i32) {
    %c0_i32 = arith.constant 0 : i32
    %c0_i32_0 = arith.constant 0 : i32
    return %arg0, %c0_i32 : i32, i32
  }
  func.func @transform_3(%arg0: i32) -> (i32, i32) {
    %c0_i32 = arith.constant 0 : i32
    %c0_i32_0 = arith.constant 0 : i32
    %c0_i32_1 = arith.constant 0 : i32
    return %c0_i32, %c0_i32_0 : i32, i32
  }
  func.func @transform_4(%arg0: i32) -> (i32, i32) {
    %c0_i32 = arith.constant 0 : i32
    %c0_i32_0 = arith.constant 0 : i32
    return %arg0, %c0_i32 : i32, i32
  }
}

module attributes {stable_mosaic.version = 14 : i64} {
  func.func @_loss_body(%arg0: memref<1024x128xf32, #tpu.memory_space<vmem>>, %arg1: memref<1024x1xi32, #tpu.memory_space<vmem>>, %arg2: memref<1x1xf32, #tpu.memory_space<smem>>) attributes {dimension_semantics = [], scalar_prefetch = 0 : i64, scratch_operands = 0 : i64, tpu.core_type = #tpu.core_type<tc>} {
    %get3A = arith.constant 0 : index
    %get3A_0 = arith.constant 0 : index
    %get3A_1 = vector.load %arg0[%get3A, %get3A_0] : memref<1024x128xf32, #tpu.memory_space<vmem>>, vector<1024x64xf32>
    %reduce_max3A = arith.constant dense<0xFF800000> : vector<1024xf32>
    %reduce_max3A_2 = vector.multi_reduction <maximumf>, %get3A_1, %reduce_max3A [1] : vector<1024x64xf32> to vector<1024xf32>
    %broadcast_in_dim3A = vector.shape_cast %reduce_max3A_2 : vector<1024xf32> to vector<1024x1xf32>
    %sub3A = vector.broadcast %broadcast_in_dim3A : vector<1024x1xf32> to vector<1024x64xf32>
    %sub3A_3 = arith.subf %get3A_1, %sub3A : vector<1024x64xf32>
    %exp3A = math.exp %sub3A_3 : vector<1024x64xf32>
    %reduce_sum3A = arith.constant dense<0.000000e+00> : vector<1024xf32>
    %reduce_sum3A_4 = vector.multi_reduction <add>, %exp3A, %reduce_sum3A [1] : vector<1024x64xf32> to vector<1024xf32>
    %broadcast_in_dim3A_5 = vector.shape_cast %reduce_sum3A_4 : vector<1024xf32> to vector<1024x1xf32>
    %log3A = math.log %broadcast_in_dim3A_5 : vector<1024x1xf32>
    %add3A = arith.addf %log3A, %broadcast_in_dim3A : vector<1024x1xf32>
    %get3A_6 = arith.constant 0 : index
    %get3A_7 = arith.constant 0 : index
    %get3A_8 = vector.load %arg1[%get3A_6, %get3A_7] : memref<1024x1xi32, #tpu.memory_space<vmem>>, vector<1024x1xi32>
    %iota3A = tpu.iota {dimensions = array<i32: 1>} : vector<1024x64xi32>
    %eq3A = vector.broadcast %get3A_8 : vector<1024x1xi32> to vector<1024x64xi32>
    %eq3A_9 = arith.cmpi eq, %iota3A, %eq3A : vector<1024x64xi32>
    %jit3A = arith.constant 0.000000e+00 : f32
    %broadcast_in_dim3A_10 = vector.broadcast %jit3A : f32 to vector<1024x64xf32>
    %select_n3A = arith.select %eq3A_9, %get3A_1, %broadcast_in_dim3A_10 : vector<1024x64xi1>, vector<1024x64xf32>
    %reduce_sum3A_11 = arith.constant dense<0.000000e+00> : vector<1024xf32>
    %reduce_sum3A_12 = vector.multi_reduction <add>, %select_n3A, %reduce_sum3A_11 [1] : vector<1024x64xf32> to vector<1024xf32>
    %broadcast_in_dim3A_13 = vector.shape_cast %reduce_sum3A_12 : vector<1024xf32> to vector<1024x1xf32>
    %sub3A_14 = arith.subf %broadcast_in_dim3A_13, %add3A : vector<1024x1xf32>
    %iota3A_15 = tpu.iota {dimensions = array<i32: 0>} : vector<1024x1xi32>
    %lt3A = arith.constant 1000 : i32
    %lt3A_16 = vector.broadcast %lt3A : i32 to vector<1024x1xi32>
    %lt3A_17 = arith.cmpi slt, %iota3A_15, %lt3A_16 : vector<1024x1xi32>
    %jit3A_18 = arith.constant 0.000000e+00 : f32
    %broadcast_in_dim3A_19 = vector.broadcast %jit3A_18 : f32 to vector<1024x1xf32>
    %select_n3A_20 = arith.select %lt3A_17, %sub3A_14, %broadcast_in_dim3A_19 : vector<1024x1xi1>, vector<1024x1xf32>
    %reduce_sum3A_21 = vector.shape_cast %select_n3A_20 : vector<1024x1xf32> to vector<1x1024x1xf32>
    %reduce_sum3A_22 = arith.constant dense<0.000000e+00> : vector<1xf32>
    %reduce_sum3A_23 = vector.multi_reduction <add>, %reduce_sum3A_21, %reduce_sum3A_22 [1, 2] : vector<1x1024x1xf32> to vector<1xf32>
    %reduce_sum3A_24 = vector.shape_cast %reduce_sum3A_23 : vector<1xf32> to vector<1x1x1xf32>
    %reduce_sum3A_25 = vector.extract %reduce_sum3A_24[0, 0, 0] : f32 from vector<1x1x1xf32>
    %neg3A = arith.constant 0.000000e+00 : f32
    %neg3A_26 = arith.subf %neg3A, %reduce_sum3A_25 : f32
    %div3A = arith.constant 1.000000e+03 : f32
    %div3A_27 = arith.divf %neg3A_26, %div3A : f32
    %swap3A = arith.constant 0 : index
    %swap3A_28 = arith.constant 0 : index
    %swap3A_29 = memref.load %arg2[%swap3A, %swap3A_28] : memref<1x1xf32, #tpu.memory_space<smem>>
    memref.store %div3A_27, %arg2[%swap3A, %swap3A_28] : memref<1x1xf32, #tpu.memory_space<smem>>
    return
  }
}

</mosaic_0001>

<sc_bundles>
// kernel: kernel.12.cloned.1.call-start
scs
__scs_entry_jumppad:
0x0: {  	(pc) =	sbr.rel $0x88, $3  }
0x1: {  	(tag) =	ssettag $0x0;
	lr =	simm.s32 $0x1  }
0x2: {  	[smem:$0x3F97] =	sst lr;
	_ =	strace $0xD0000000  }
0x3: {  	_ = 	snop  }
0x4: {  	_ = 	snop  }
0x5: {  	_ = 	snop  }
0x6: {  	_ = 	snop  }
0x7: {  	_ = 	snop  }
__scs_overlays_trampoline_lowered:
0x8: {  	[smem:$0x3FA6] =	sst s0  }
0x9: {  	[smem:$0x3FA7] =	sst s1  }
0xa: {  	[smem:$0x3FA8] =	sst s2  }
0xb: {  	[smem:$0x3FA9] =	sst s3  }
0xc: {  	[smem:$0x3FAA] =	sst s4  }
0xd: {  	[smem:$0x3FAB] =	sst s5  }
0xe: {  	[smem:$0x3FAC] =	sst s6  }
0xf: {  	[smem:$0x3FAD] =	sst s7  }
0x10: {  	[smem:$0x3FAE] =	sst s8  }
0x11: {  	[smem:$0x3FAF] =	sst s9;
	s0 =	simm.s32 @!p0 $0x0  }
0x12: {  	s1 =	sld [smem:$0x3F95];
	s0 =	simm.s32 @p0 $0x1  }
0x13: {  	[smem:$0x3FB0] =	sst s0;
	s0 =	simm.s32 @!p1 $0x0  }
0x14: {  	s2 =	sld [smem:$0x3F94];
	s0 =	simm.s32 @p1 $0x1  }
0x15: {  	[smem:$0x3FB1] =	sst s0;
	s0 =	simm.s32 @!p2 $0x0  }
0x16: {  	s3 =	sld [smem:$0x3FDB];
	s0 =	simm.s32 @p2 $0x1  }
0x17: {  	s4 =	simm.s32 $0x1BF5;
	[smem:$0x3FB3] =	sst s0  }
0x18: {  	s0 =	sld [smem:$0x3F96];
	_ =	swait.ge [sflag:s4], $0x0  }
0x19: {  	s7 =	sld [smem:$0x3F97]  }
0x1a: {  	s8 =	sadd.s32 $0xFFFFE003, lr  }
0x1b: {  	s9 =	sadd.s32 $0xFFFFFEF7, lr;
	s5 =	simm.s32 $0xFFFFFFFF;
	p2 =	slt.u32 s8, $0xFFFFF086  }
0x1c: {  	p1 =	slt.u32 s9, $0xF7A;
	s5 =	simm.s32 @!p2 $0x0  }
0x1d: {  	s5 =	simm.s32 @p1 $0x1;
	p0 =	seq.s32 s7, s2  }
0x1e: {  	s7 =	smul.u32 @!p0 $0xF7A, s2;
	p2 =	seq.s32 @!p0 s5, $0x0  }
0x1f: {  	s9 =	smul.u32 $0xF7A, s1;
	s8 =	simm.s32 @!p0 $0x1BF5;
	p2 =	por !p2, p0  }
0x20: {  	[sflag:s8] =	ssyncset.s32 @!p0 $0xFFFFF086;
	s6 =	sadd.s32 @!p0 s3, s7;
	s7 =	simm.s32 @!p0 $0x108  }
0x21: {  	s3 =	sadd.s32 s3, s9;
	s6 =	sadd.s32 @!p0 $0x88, s6;
	s7 =	simm.s32 @p2 $0x1082  }
0x22: {  	[simem:s7], [sflag:s8] =	dma.local @!p0 [hbm:s6], $0xF7A  }
0x23: {  	s9 =	sor.u32 $0xD0000000, s2;
	s6 =	simm.s32 $0x108;
	_ =	swait.ge @!p0 [sflag:s8], $0x0  }
0x24: {  	s3 =	sadd.s32 $0x88, s3;
	s6 =	simm.s32 @!p1 $0x1082;
	[sflag:s4] =	ssyncset.s32 $0xFFFFF086  }
0x25: {  	[simem:s6], [sflag:s4] =	dma.local [hbm:s3], $0xF7A  }
0x26: {  	[smem:$0x3F97] =	sst s1;
	(tag) =	ssettag s2;
	_ =	strace s9  }
0x27: {  	s1 =	sld [smem:$0x3FA7]  }
0x28: {  	s2 =	sld [smem:$0x3FA8]  }
0x29: {  	s4 =	sld [smem:$0x3FAA]  }
0x2a: {  	p0 =	seq.s32 s5, $0x0;
	s5 =	sld [smem:$0x3FAB]  }
0x2b: {  	s6 =	sld [smem:$0x3FAC]  }
0x2c: {  	s7 =	sld [smem:$0x3FAD]  }
0x2d: {  	s3 =	simm.s32 $0x108;
	s8 =	sld [smem:$0x3FAE]  }
0x2e: {  	s3 =	simm.s32 @!p0 $0x1082;
	s9 =	sld [smem:$0x3FAF]  }
0x2f: {  	lr =	sadd.s32 s0, s3;
	s0 =	sld [smem:$0x3FA6]  }
0x30: {  	s3 =	sld [smem:$0x3FA9]  }
0x31: {  	[smem:$0x3FB2] =	sst s10  }
0x32: {  	s10 =	sld [smem:$0x3FB0];
	_ =	sdelay $0x3  }
0x33: {  	p0 =	seq.s32 s10, $0x1;
	s10 =	sld [smem:$0x3FB2];
	_ =	sdelay $0x3  }
0x34: {  	[smem:$0x3FB2] =	sst s10  }
0x35: {  	s10 =	sld [smem:$0x3FB1];
	_ =	sdelay $0x3  }
0x36: {  	p1 =	seq.s32 s10, $0x1;
	s10 =	sld [smem:$0x3FB2];
	_ =	sdelay $0x3  }
0x37: {  	[smem:$0x3FB2] =	sst s10  }
0x38: {  	s10 =	sld [smem:$0x3FB3]  }
0x39: {  	_ = 	snop;
	(pc) =	sbr.ind lr, $3  }
0x3a: {  	_ = 	snop  }
0x3b: {  	_ = 	snop  }
0x3c: {  	p2 =	seq.s32 s10, $0x1;
	s10 =	sld [smem:$0x3FB2]  }
0x3d: {  	_ =	shalt  }
0x3e: {  	_ =	shalt  }
0x3f: {  	_ =	shalt  }
0x40: {  	_ =	shalt  }
0x41: {  	_ =	shalt  }
0x42: {  	_ =	shalt  }
0x43: {  	_ =	shalt  }
0x44: {  	_ =	shalt  }
0x45: {  	_ =	shalt  }
0x46: {  	_ =	shalt  }
0x47: {  	_ =	shalt  }
0x48: {  	_ =	shalt  }
0x49: {  	_ =	shalt  }
0x4a: {  	_ =	shalt  }
0x4b: {  	_ =	shalt  }
0x4c: {  	_ =	shalt  }
0x4d: {  	_ =	shalt  }
0x4e: {  	_ =	shalt  }
0x4f: {  	_ =	shalt  }
0x50: {  	_ =	shalt  }
0x51: {  	_ =	shalt  }
0x52: {  	_ =	shalt  }
0x53: {  	_ =	shalt  }
0x54: {  	_ =	shalt  }
0x55: {  	_ =	shalt  }
0x56: {  	_ =	shalt  }
0x57: {  	_ =	shalt  }
0x58: {  	_ =	shalt  }
0x59: {  	_ =	shalt  }
0x5a: {  	_ =	shalt  }
0x5b: {  	_ =	shalt  }
0x5c: {  	_ =	shalt  }
0x5d: {  	_ =	shalt  }
0x5e: {  	_ =	shalt  }
0x5f: {  	_ =	shalt  }
0x60: {  	_ =	shalt  }
0x61: {  	_ =	shalt  }
0x62: {  	_ =	shalt  }
0x63: {  	_ =	shalt  }
0x64: {  	_ =	shalt  }
0x65: {  	_ =	shalt  }
0x66: {  	_ =	shalt  }
0x67: {  	_ =	shalt  }
0x68: {  	_ =	shalt  }
0x69: {  	_ =	shalt  }
0x6a: {  	_ =	shalt  }
0x6b: {  	_ =	shalt  }
0x6c: {  	_ =	shalt  }
0x6d: {  	_ =	shalt  }
0x6e: {  	_ =	shalt  }
0x6f: {  	_ =	shalt  }
0x70: {  	_ =	shalt  }
0x71: {  	_ =	shalt  }
0x72: {  	_ =	shalt  }
0x73: {  	_ =	shalt  }
0x74: {  	_ =	shalt  }
0x75: {  	_ =	shalt  }
0x76: {  	_ =	shalt  }
0x77: {  	_ =	shalt  }
0x78: {  	_ =	shalt  }
0x79: {  	_ =	shalt  }
0x7a: {  	_ =	shalt  }
0x7b: {  	_ =	shalt  }
0x7c: {  	_ =	shalt  }
0x7d: {  	_ =	shalt  }
0x7e: {  	_ =	shalt  }
0x7f: {  	_ =	shalt  }
0x80: {  	_ =	shalt  }
0x81: {  	_ =	shalt  }
0x82: {  	_ =	shalt  }
0x83: {  	_ =	shalt  }
0x84: {  	_ =	shalt  }
0x85: {  	_ =	shalt  }
0x86: {  	_ =	shalt  }
0x87: {  	_ =	shalt  }
.Lfunc_end0:
.L_simem_size_0:
called_computation.1_lowered:
.L_overlay_start_0:
0x88: {  	s2 =	sld [smem:$0x3FD9]  }
0x89: {  	s3 =	sld [smem:$0x3FFE];
	_ =	sdelay $0x1  }
0x8a: {  	s1 =	srdreg.scid  }
0x8b: {  	s0 =	sand.u32 $0x1, s1  }
0x8c: {  	s14 =	sshll.u32 s0, $0xA;
	s2 =	sadd.s32 s3, s2  }
0x8d: {  	s2 =	sadd.s32 s2, s14  }
0x8e: {  	[smem:$0x3FBE] =	sst s2  }
0x8f: {  	_ = 	snop  }
0x90: {  	s2 =	sld [smem:$0x3FD0];
	_ =	sdelay $0x2  }
0x91: {  	s15 =	simm.s32 $0xA;
	s4 =	simm.s32 $0x10  }
0x92: {  	[smem:s4], [sflag:s15] =	dma.local [hbm:s2], $0x1  }
0x93: {  	_ =	swait.eq [sflag:s15], $0x1  }
0x94: {  	[sflag:s15] =	ssyncset.done $0x0  }
0x95: {  	[sflag:s15] =	ssyncadd.s32 $0xFFFFFFFF  }
0x96: {  	s16 =	sld [smem:$0x10];
	(tm) =	ssettm $0x1  }
0x97: {  	s17 =	sld [smem:$0x3FFB];
	_ =	sdelay $0x3  }
0x98: {  	_ =	strace s17  }
0x99: {  	s3 =	sld [smem:$0x3FFC];
	_ =	sdelay $0x3  }
0x9a: {  	_ =	strace s3  }
0x9b: {  	s3 =	sld [smem:$0x3FFD];
	_ =	sdelay $0x3  }
0x9c: {  	_ =	strace s3  }
0x9d: {  	_ =	strace $0x8FFFFFFF  }
0x9e: {  	s18 =	sld [smem:$0x3FDB];
	_ =	sdelay $0x1  }
0x9f: {  	s19 =	simm.s32 $_scs_section_size  }
0xa0: {  	s5 =	simm.s32 $_size__tile_overlayer_lowered;
	s6 =	simm.s32 $_tile_overlayer_lowered  }
0xa1: {  	s22 =	simm.s32 $0x1BFF;
	s21 =	sshll.u32 s6, $0x1;
	s3 =	sadd.s32 s19, s18  }
0xa2: {  	s7 =	simm.s32 $0x0;
	s20 =	sshll.u32 s5, $0x1;
	s5 =	sadd.s32 s21, s3  }
0xa3: {  	[timem:s7], [sflag:s22] =	dma.local [hbm:s5], s20  }
0xa4: {  	_ =	swait.ge [sflag:s22], s20  }
0xa5: {  	s4 =	ssub.s32 $0x0, s20;
	[sflag:s22] =	ssyncset.done $0x0  }
0xa6: {  	[sflag:s22] =	ssyncadd.s32 s4;
	_ =	sdelay $0x1  }
0xa7: {  	s23 =	simm.s32 $0x1B8B  }
0xa8: {  	_ =	swait.ge [sflag:s23], $0x1  }
0xa9: {  	[sflag:s23] =	ssyncset.done $0x0  }
0xaa: {  	s25 =	simm.s32 $0x1B8E;
	s24 =	sld [smem:$0x3FFE];
	[sflag:s23] =	ssyncadd.s32 $0xFFFFFFFF  }
0xab: {  	s26 =	simm.s32 $execute0_lowered;
	[smem:$0x3FD2] =	sst s25  }
0xac: {  	s5 =	sshll.u32 s26, $0x1;
	_ =	strace $0x80000049;
	[dreg:$0x1] =	wrdreg $0xFFFFFFFF  }
0xad: {  	s28 =	simm.s32 $_size_execute0_lowered;
	s3 =	sadd.s32 s3, s5;
	[dreg:$0x0] =	wrdreg $0x0  }
0xae: {  	s5 =	sshll.u32 s28, $0x1;
	[dreg:$0x2] =	wrdreg s3  }
0xaf: {  	[dreg:$0x3] =	wrdreg s5  }
0xb0: {  	[dreg:$0x4] =	wrdreg $0xC0  }
0xb1: {  	_ =	task [dreg:s7], $0x5FFFF  }
0xb2: {  	[dreg:$0x1] =	wrdreg $0xFFFFFFFF  }
0xb3: {  	[dreg:$0x0] =	wrdreg $0x60  }
0xb4: {  	[dreg:$0x2] =	wrdreg s24  }
0xb5: {  	[dreg:$0x3] =	wrdreg s16  }
0xb6: {  	[dreg:$0x4] =	wrdreg $0xC1000  }
0xb7: {  	[dreg:$0x5] =	wrdreg $0x9  }
0xb8: {  	_ =	task.clear_ibuf [dreg:s7], $0x6FFFF;
	_ =	strace $0x90000049  }
0xb9: {  	s29 =	simm.s32 $0x9;
	_ =	strace $0x8000004B  }
0xba: {  	_ =	swait.ge [sflag:s29], $0x1  }
0xbb: {  	[sflag:s29] =	ssyncadd.s32 $0xFFFFFFFF  }
0xbc: {  	_ =	strace $0x9000004B  }
0xbd: {  	_ =	sfence  }
0xbe: {  	s30 =	sld [smem:$0x0];
	_ =	sdelay $0x2  }
0xbf: {  	s31 =	sshll.u32 s1, $0xD;
	s1 =	sshrl.u32 s1, $0x2  }
0xc0: {  	s3 =	sand.u32 $0x4000, s31;
	s1 =	sadd.s32 s1, s30  }
0xc1: {  	s0 =	sor.u32 s3, s0;
	s1 =	sshll.u32 s1, $0x11  }
0xc2: {  	s0 =	sor.u32 s1, s0  }
0xc3: {  	s0 =	sadd.s32 $0x8F2B, s0  }
0xc4: {  	[sflag:s0] =	ssyncadd.remote.s32 $0x1  }
0xc5: {  	_ =	sfence.sel $0xFFFF  }
0xc6: {  	[dreg:$0x0] =	wrdreg $0xFFFFFFFF;
	(pc) =	sbr.abs _section_cstart, $3  }
0xc7: {  	[dreg:$0x1] =	wrdreg $0xFFFFFFFF  }
0xc8: {  	_ =	task.clear_ibuf [dreg:s7], $0x2FFFF;
	_ =	strace $0x9FFFFFFF  }
0xc9: {  	(tm) =	ssettm $0x7FFFFFFF  }
tec
execute0_lowered:
.L_overlay_start_1:
0x0: {  	(tag) =	ssettag $0x1  }
0x1: {  	s0 =	rddreg [dreg:$0x0]  }
0x2: {  	s1 =	rddreg [dreg:$0x1]  }
0x3: {  	s2 =	rddreg [dreg:$0x2]  }
0x4: {  	s4 =	simm.s32 $0x0;
	s3 =	srdreg.scid;
	s12 =	stileid.u32  }
0x5: {  	s19 =	simm.s32 $0x8100;
	s20 =	simm.s32 $0x3;
	s21 =	simm.s32 $0x80  }
0x6: {  	s22 =	simm.s32 $0x100;
	s23 =	simm.s32 $0x4100;
	s24 =	simm.s32 $0x1  }
0x7: {  	s25 =	simm.s32 $0x2;
	s26 =	simm.s32 $0x0;
	[smem:$0x7FF] =	sst s4  }
0x8: {  	s3 =	sand.u32 $0x1, s3;
	s5 =	sadd.s32 $0xCC00, s0;
	s8 =	smul.u32 $0x4F000, s12  }
0x9: {  	s6 =	sadd.s32 $0x2E00, s0;
	s0 =	sadd.s32 $0x34400, s0;
	s11 =	smul.u32 $0x13C00, s12  }
0xa: {  	_ =	strace $0x8000004A;
	s7 =	ssub.s32 $0x2, s3;
	s10 =	sshll.u32 s3, $0x4  }
0xb: {  	s3 =	smul.u32 $0x13C000, s3;
	s9 =	sshrl.u32 s7, $0x1;
	s8 =	sshrl.u32 s8, $0x2  }
0xc: {  	s12 =	sor.u32 s12, s10;
	s14 =	sadd.s32 $0x4000, s11;
	s15 =	sadd.s32 $0x8000, s11  }
0xd: {  	s16 =	sadd.s32 $0xC000, s11;
	s17 =	sadd.s32 $0x10000, s11;
	s13 =	ssub.s32 s7, s9  }
0xe: {  	s7 =	sadd.s32 s8, s2;
	s8 =	sadd.s32 s14, s2;
	s9 =	sadd.s32 s15, s2  }
0xf: {  	s10 =	sadd.s32 s16, s2;
	s18 =	sadd.s32 s11, s3;
	s11 =	sadd.s32 s17, s2  }
0x10: {  	s14 =	sadd.s32 s3, s14;
	s12 =	smul.u32 $0x4F, s12;
	s15 =	sadd.s32 s3, s15  }
0x11: {  	s16 =	sadd.s32 s3, s16;
	s3 =	sadd.s32 s3, s17;
	s18 =	sshrl.u32 s18, $0x3  }
0x12: {  	s14 =	sshrl.u32 s14, $0x3;
	s15 =	sshrl.u32 s15, $0x3;
	s16 =	sshrl.u32 s16, $0x3  }
0x13: {  	s3 =	sshrl.u32 s3, $0x3;
	s18 =	sadd.s32 s0, s18;
	s14 =	sadd.s32 s0, s14  }
0x14: {  	s15 =	sadd.s32 s0, s15;
	s16 =	sadd.s32 s0, s16;
	[dreg:$0x4] =	wrdreg s18  }
0x15: {  	v0 =	vimm.f32 $0.0e+00;
	v1 =	vimm.s32 $0x0;
	s17 =	sadd.s32 s0, s3;
	[dreg:$0x5] =	wrdreg s14;
	s18 =	smax.u32 s13, $0x1  }
.LBB2_1:
0x16: {  	s0 =	simm.s32 $0x0;
	s3 =	simm.s32 $0x200  }
.LBB2_2:
0x17: {  	p0 =	sne.s32 s3, $0xFE00;
	[tilespmem:s0+$0x8170] =	vst v0  }
0x18: {  	[tilespmem:s0+$0x8100] =	vst v0  }
0x19: {  	[tilespmem:s0+$0x8110] =	vst v0  }
.Ltmp0:
0x1a: {  	[tilespmem:s0+$0x8120] =	vst v0;
	(pc) =	sbr.rel @p0 .LBB2_2-.Ltmp0, $4  }
0x1b: {  	[tilespmem:s0+$0x8130] =	vst v0  }
0x1c: {  	[tilespmem:s0+$0x8140] =	vst v0  }
0x1d: {  	[tilespmem:s0+$0x8150] =	vst v0  }
0x1e: {  	[tilespmem:s0+$0x8160] =	vst v0;
	s0 =	sshra.s32 s3, $0x2;
	s3 =	sadd.s32 $0x200, s3  }
0x1f: {  	[tilespmem:s0+$0x8170] =	vst v0  }
0x20: {  	[tilespmem:s0+$0x8100] =	vst v0  }
0x21: {  	[tilespmem:s0+$0x8110] =	vst v0  }
0x22: {  	[tilespmem:s0+$0x8120] =	vst v0  }
0x23: {  	[tilespmem:s0+$0x8130] =	vst v0  }
0x24: {  	[tilespmem:s0+$0x8140] =	vst v0  }
0x25: {  	[tilespmem:s0+$0x8150] =	vst v0  }
0x26: {  	[tilespmem:s0+$0x8160] =	vst v0  }
0x27: {  	[spmem:s7] =	stream.linear.scatter [tilespmem:s19], [sflag:$0x3], $0x4000, $0x38;
	[tilespmem:$0x1FD00] =	vst v63  }
0x28: {  	_ =	swait.ge [sflag:s20], $0x4000  }
0x29: {  	[sflag:s20] =	ssyncset.done $0x0  }
0x2a: {  	[sflag:s20] =	ssyncadd.s32 $0xFFFFC000  }
0x2b: {  	[spmem:s8] =	stream.linear.scatter [tilespmem:s19], [sflag:$0x3], $0x4000, $0x38;
	[tilespmem:$0x1FD00] =	vst v63  }
0x2c: {  	_ =	swait.ge [sflag:s20], $0x4000  }
0x2d: {  	[sflag:s20] =	ssyncset.done $0x0  }
0x2e: {  	[sflag:s20] =	ssyncadd.s32 $0xFFFFC000  }
0x2f: {  	[spmem:s9] =	stream.linear.scatter [tilespmem:s19], [sflag:$0x3], $0x4000, $0x38;
	[tilespmem:$0x1FD00] =	vst v63  }
0x30: {  	_ =	swait.ge [sflag:s20], $0x4000  }
0x31: {  	[sflag:s20] =	ssyncset.done $0x0  }
0x32: {  	[sflag:s20] =	ssyncadd.s32 $0xFFFFC000  }
0x33: {  	[spmem:s10] =	stream.linear.scatter [tilespmem:s19], [sflag:$0x3], $0x4000, $0x38;
	[tilespmem:$0x1FD00] =	vst v63  }
0x34: {  	_ =	swait.ge [sflag:s20], $0x4000  }
0x35: {  	[sflag:s20] =	ssyncset.done $0x0  }
0x36: {  	[sflag:s20] =	ssyncadd.s32 $0xFFFFC000  }
0x37: {  	[spmem:s11] =	stream.linear.scatter [tilespmem:s19], [sflag:$0x3], $0x3C00, $0x38;
	[tilespmem:$0x1FD00] =	vst v63  }
0x38: {  	_ =	swait.ge [sflag:s20], $0x3C00  }
0x39: {  	[sflag:s20] =	ssyncset.done $0x0  }
0x3a: {  	[sflag:s20] =	ssyncadd.s32 $0xFFFFC400  }
0x3b: {  	s28 =	simm.s32 $0x0;
	[bflag:$0x0] =	sbarrier.arrive $0xFFFF  }
.LBB2_4:
0x3c: {  	s0 =	sadd.s32 s12, s28  }
0x3d: {  	s0 =	sshll.u32 s0, $0x4  }
0x3e: {  	s3 =	sadd.s32 s1, s0  }
0x3f: {  	[tilespmem:s26], [sflag:$0x3] =	stream.linear.gather [hbm4b:s3+s26], $0x80, $0x38;
	[tilespmem:$0x1FD00] =	vst v63  }
0x40: {  	_ =	swait.ge [sflag:s20], $0x80  }
0x41: {  	[sflag:s20] =	ssyncset.done $0x0  }
0x42: {  	s0 =	sadd.s32 s6, s0;
	[sflag:s20] =	ssyncadd.s32 $0xFFFFFF80  }
0x43: {  	[tilespmem:s21], [sflag:$0x3] =	stream.linear.gather [hbm4b:s0+s26], $0x80, $0x38;
	[tilespmem:$0x1FD00] =	vst v63  }
0x44: {  	_ =	swait.ge [sflag:s20], $0x80  }
0x45: {  	[sflag:s20] =	ssyncset.done $0x0  }
0x46: {  	[sflag:s20] =	ssyncadd.s32 $0xFFFFFF80  }
0x47: {  	[tilespmem:s22], [sflag:$0x1] =	stream.indirect.gather [hbm4b:s5+s21], $0x80, s26, s21, $0xb8;
	[tilespmem:$0x1FD00] =	vst v63  }
0x48: {  	_ = 	snop  }
0x49: {  	[tilespmem:s23], [sflag:$0x2] =	stream.indirect.gather [hbm4b:s5+s21], $0x80, s21, s21, $0xb8;
	[tilespmem:$0x1FD00] =	vst v63  }
0x4a: {  	_ =	swait.ge [sflag:s24], $0x4000  }
0x4b: {  	[sflag:s24] =	ssyncset.done $0x0  }
0x4c: {  	[sflag:s24] =	ssyncadd.s32 $0xFFFFC000  }
0x4d: {  	_ =	swait.ge [sflag:s25], $0x4000  }
0x4e: {  	[sflag:s25] =	ssyncset.done $0x0  }
0x4f: {  	s3 =	simm.s32 $0x0;
	[sflag:s25] =	ssyncadd.s32 $0xFFFFC000  }
0x50: {  	v2 =	vld [tilespmem:s3+$0x140]  }
0x51: {  	v3 =	vld [tilespmem:s3+$0x4150];
	_ =	sdelay $0x4  }
0x52: {  	v2 =	vadd.f32 v3, v2;
	_ =	sdelay $0x1  }
0x53: {  	s0 =	simm.s32 $0x80;
	v3 =	vmul.f32 $2.000000030e-01, v2  }
0x54: {  	v4 =	vld [tilespmem:s0+$0x140]  }
0x55: {  	v6 =	vld [tilespmem:s0+$0x4150];
	v2 =	vmax.f32 v2, v3  }
0x56: {  	v2 =	vmul.f32 $1.442695020e+00, v2  }
0x57: {  	s31 =	simm.s32 $0x100  }
0x58: {  	v7 =	vld [tilespmem:s31+$0x140];
	(erf) = vpow2.f32 v2  }
0x59: {  	v8 =	vld [tilespmem:s31+$0x4150]  }
0x5a: {  	v6 =	vadd.f32 v6, v4  }
0x5b: {  	v15 =	vld [tilespmem:s3+$0x120]  }
0x5c: {  	s30 =	simm.s32 $0x180;
	v5 =	vld [tilespmem:s0+$0x120];
	v10 =	vmul.f32 $2.000000030e-01, v6  }
0x5d: {  	v9 =	vld [tilespmem:s30+$0x4150]  }
0x5e: {  	v12 =	vld [tilespmem:s3+$0x130];
	v7 =	vadd.f32 v8, v7;
	v10 =	vmax.f32 v6, v10  }
0x5f: {  	v10 =	vmul.f32 $1.442695020e+00, v10;
	v2 =	vld [tilespmem:s30+$0x140]  }
0x60: {  	v13 =	vld [tilespmem:s3+$0x110];
	v11 =	vmul.f32 $2.000000030e-01, v7  }
0x61: {  	v4 =	vld [tilespmem:s30+$0x120];
	v16 =	vpop (erf);
	(erf) = vpow2.f32 v10  }
0x62: {  	v8 =	vld [tilespmem:s3+$0x100];
	v11 =	vmax.f32 v7, v11  }
0x63: {  	s29 =	simm.s32 $0x200;
	v3 =	vld [tilespmem:s31+$0x120];
	v14 =	vmul.f32 $1.442695020e+00, v11  }
0x64: {  	v6 =	vld [tilespmem:s29+$0x140];
	v9 =	vadd.f32 v9, v2  }
0x65: {  	v7 =	vld [tilespmem:s29+$0x4150];
	v11 =	vperm.xlane v16, v1;
	(erf) = vpow2.f32 v14  }
0x66: {  	v2 =	vld [tilespmem:s29+$0x120];
	v17 =	vmul.f32 $2.000000030e-01, v9  }
0x67: {  	v10 =	vld [tilespmem:s0+$0x130];
	[tilespmem:s3+$0x8140] =	vst v16;
	v14 =	vmul.f32 v12, v11  }
0x68: {  	s13 =	simm.s32 $0xA00;
	v12 =	vmax.f32 v9, v17;
	v9 =	vld [tilespmem:s0+$0x110];
	v13 =	vmul.f32 v13, v11;
	v15 =	vmul.f32 v15, v11  }
.LBB2_5:
0x69: {  	s14 =	sshra.s32 s13, $0x2;
	p0 =	sne.s32 s13, $0xFE00;
	s13 =	sadd.s32 $0x200, s13;
	v16 =	vmul.f32 v8, v11;
	v8 =	vld [tilespmem:s0+$0x100];
	[tilespmem:s3+$0x8130] =	vst v14;
	v17 =	vmov v3;
	v3 =	vmov v4  }
.Ltmp1:
0x6a: {  	v18 =	vadd.f32 v7, v6;
	v6 =	vld [tilespmem:s14+$0x140];
	v19 =	vpop (erf);
	[tilespmem:s3+$0x8120] =	vst v15;
	(pc) =	sbr.rel @p0 .LBB2_5-.Ltmp1, $4  }
0x6b: {  	v12 =	vmul.f32 $1.442695020e+00, v12;
	v7 =	vld [tilespmem:s14+$0x4150];
	v11 =	vperm.xlane v19, v1;
	[tilespmem:s3+$0x8100] =	vst v16;
	v4 =	vmov v2  }
0x6c: {  	v2 =	vld [tilespmem:s14+$0x120];
	v15 =	vmul.f32 $2.000000030e-01, v18;
	[tilespmem:s3+$0x8110] =	vst v13;
	s3 =	smov.u32 s0;
	s0 =	smov.u32 s31;
	s31 =	smov.u32 s30  }
0x6d: {  	s30 =	smov.u32 s29;
	s29 =	smov.u32 s14;
	(erf) = vpow2.f32 v12;
	v14 =	vmul.f32 v10, v11;
	v10 =	vld [tilespmem:s0+$0x130];
	[tilespmem:s3+$0x8140] =	vst v19  }
0x6e: {  	v13 =	vmul.f32 v9, v11;
	v12 =	vmax.f32 v18, v15;
	v9 =	vld [tilespmem:s0+$0x110];
	v15 =	vmul.f32 v5, v11;
	v5 =	vmovc v17  }
0x6f: {  	_ = 	snop  }
0x70: {  	v16 =	vld [tilespmem:s0+$0x100];
	[tilespmem:s3+$0x8130] =	vst v14  }
0x71: {  	v8 =	vmul.f32 v8, v11;
	v45 =	vpop (erf);
	[tilespmem:s3+$0x8120] =	vst v15  }
0x72: {  	v49 =	vmul.f32 $1.442695020e+00, v12;
	[tilespmem:s3+$0x8110] =	vst v13;
	v46 =	vperm.xlane v45, v1  }
0x73: {  	[tilespmem:s3+$0x8100] =	vst v8  }
0x74: {  	v6 =	vadd.f32 v7, v6;
	(erf) = vpow2.f32 v49;
	v13 =	vld [tilespmem:s31+$0x130];
	[tilespmem:s0+$0x8140] =	vst v45;
	v47 =	vmul.f32 v10, v46  }
0x75: {  	v5 =	vmul.f32 v5, v46;
	v48 =	vld [tilespmem:s31+$0x110]  }
0x76: {  	v52 =	vmul.f32 $2.000000030e-01, v6;
	v14 =	vld [tilespmem:s31+$0x100];
	v51 =	vmul.f32 v9, v46;
	[tilespmem:s0+$0x8130] =	vst v47;
	v53 =	vpop (erf)  }
0x77: {  	v50 =	vmul.f32 v16, v46;
	[tilespmem:s0+$0x8120] =	vst v5;
	v54 =	vperm.xlane v53, v1  }
0x78: {  	v5 =	vmax.f32 v6, v52;
	[tilespmem:s0+$0x8110] =	vst v51  }
0x79: {  	v5 =	vmul.f32 $1.442695020e+00, v5;
	[tilespmem:s0+$0x8100] =	vst v50;
	v3 =	vmul.f32 v3, v54  }
0x7a: {  	v8 =	vld [tilespmem:s30+$0x130];
	[tilespmem:s31+$0x8140] =	vst v53;
	v55 =	vmul.f32 v13, v54  }
0x7b: {  	(erf) = vpow2.f32 v5;
	v56 =	vld [tilespmem:s30+$0x110]  }
0x7c: {  	v57 =	vld [tilespmem:s30+$0x100];
	v58 =	vmul.f32 v14, v54;
	[tilespmem:s31+$0x8130] =	vst v55  }
0x7d: {  	v6 =	vmul.f32 v48, v54;
	[tilespmem:s31+$0x8120] =	vst v3;
	v3 =	vpop (erf)  }
0x7e: {  	[tilespmem:s31+$0x8100] =	vst v58;
	v59 =	vperm.xlane v3, v1  }
0x7f: {  	[tilespmem:s31+$0x8110] =	vst v6  }
0x80: {  	v7 =	vld [tilespmem:s29+$0x130];
	[tilespmem:s30+$0x8140] =	vst v3;
	v3 =	vmul.f32 v8, v59;
	_ =	sdelay $0x2  }
0x81: {  	v60 =	vld [tilespmem:s29+$0x110];
	v4 =	vmul.f32 v4, v59  }
0x82: {  	v61 =	vld [tilespmem:s29+$0x100];
	v5 =	vmul.f32 v57, v59;
	[tilespmem:s30+$0x8130] =	vst v3;
	v3 =	vpop (erf)  }
0x83: {  	v6 =	vmul.f32 v56, v59;
	[tilespmem:s30+$0x8120] =	vst v4;
	v62 =	vperm.xlane v3, v1  }
0x84: {  	[tilespmem:s30+$0x8100] =	vst v5  }
0x85: {  	[tilespmem:s30+$0x8110] =	vst v6;
	v63 =	vmul.f32 v7, v62  }
0x86: {  	[tilespmem:s29+$0x8140] =	vst v3;
	v2 =	vmul.f32 v2, v62  }
0x87: {  	v3 =	vmul.f32 v61, v62;
	[tilespmem:s29+$0x8130] =	vst v63  }
0x88: {  	s28 =	sadd.s32 $0x1, s28;
	v4 =	vmul.f32 v60, v62;
	[tilespmem:s29+$0x8120] =	vst v2  }
0x89: {  	p0 =	sne.s32 s28, $0x4F;
	[tilespmem:s29+$0x8100] =	vst v3  }
.Ltmp2:
0x8a: {  	[tilespmem:s29+$0x8110] =	vst v4;
	(pc) =	sbr.rel @p0 .LBB2_4-.Ltmp2, $4  }
0x8b: {  	[spmem:s2] =	stream.indirect.scatter.add.f32 [tilespmem:s19], [sflag:$0x3], $0x80, s21, s21, $0xb8;
	[tilespmem:$0x1FD00] =	vst v63  }
0x8c: {  	_ =	swait.ge [sflag:s20], $0x4000  }
0x8d: {  	[sflag:s20] =	ssyncset.done $0x0  }
0x8e: {  	[sflag:s20] =	ssyncadd.s32 $0xFFFFC000  }
0x8f: {  	s0 =	stileid.u32  }
0x90: {  	[bflag:$0x0] =	sbarrier.arrive $0xFFFF;
	s0 =	sshll.u32 s0, $0x6  }
0x91: {  	s3 =	sshrl.u32 s7, $0x3;
	s13 =	rddreg [dreg:$0x4];
	s0 =	sor.u32 $0x1C03, s0  }
0x92: {  	[hbm:s13], [sflag:s0] =	dma.local [spmem:s3], $0x800  }
0x93: {  	_ =	swait.ge [sflag:s20], $0x800  }
0x94: {  	[sflag:s20] =	ssyncset.done $0x0  }
0x95: {  	s14 =	sshrl.u32 s8, $0x3;
	s28 =	rddreg [dreg:$0x5];
	[sflag:s20] =	ssyncadd.s32 $0xFFFFF800  }
0x96: {  	[hbm:s28], [sflag:s0] =	dma.local [spmem:s14], $0x800  }
0x97: {  	_ =	swait.ge [sflag:s20], $0x800  }
0x98: {  	[sflag:s20] =	ssyncset.done $0x0  }
0x99: {  	s29 =	sshrl.u32 s9, $0x3;
	[sflag:s20] =	ssyncadd.s32 $0xFFFFF800  }
0x9a: {  	[hbm:s15], [sflag:s0] =	dma.local [spmem:s29], $0x800  }
0x9b: {  	_ =	swait.ge [sflag:s20], $0x800  }
0x9c: {  	[sflag:s20] =	ssyncset.done $0x0  }
0x9d: {  	s30 =	sshrl.u32 s10, $0x3;
	[sflag:s20] =	ssyncadd.s32 $0xFFFFF800  }
0x9e: {  	[hbm:s16], [sflag:s0] =	dma.local [spmem:s30], $0x800  }
0x9f: {  	s4 =	sadd.s32 $0x1, s4;
	_ =	swait.ge [sflag:s20], $0x800  }
0xa0: {  	p0 =	sne.s32 s4, s18;
	[sflag:s20] =	ssyncset.done $0x0  }
.Ltmp3:
0xa1: {  	s31 =	sshrl.u32 s11, $0x3;
	[sflag:s20] =	ssyncadd.s32 $0xFFFFF800;
	(pc) =	sbr.rel @p0 .LBB2_1-.Ltmp3, $4  }
0xa2: {  	[hbm:s17], [sflag:s0] =	dma.local [spmem:s31], $0x780  }
0xa3: {  	_ =	swait.ge [sflag:s20], $0x780  }
0xa4: {  	[sflag:s20] =	ssyncset.done $0x0  }
0xa5: {  	[sflag:s20] =	ssyncadd.s32 $0xFFFFF880  }
0xa6: {  	_ =	sfence.sel $0x180000  }
0xa7: {  	[bflag:$0x0] =	sbarrier.arrive $0xFFFF  }
0xa8: {  	_ =	strace $0x9000004A  }
0xa9: {  	s0 =	stileid.u32;
	[bflag:$0x2] =	sbarrier.arrive $0xFFFF  }
0xaa: {  	p0 =	sne.s32 s0, $0x0;
	s0 =	rddreg [dreg:$0x3]  }
0xab: {  	s0 =	sadd.s32 @!p0 $0x100000, s0  }
0xac: {  	[sflag:s0] =	ssyncadd.tile.s32 @!p0 $0x1;
	_ =	shalt  }
.Lfunc_end2:
_tile_overlayer_lowered:
.L_overlay_start_2:
0xad: {  	(tag) =	ssettag $0x2  }
0xae: {  	s0 =	rddreg [dreg:$0x0];
	s2 =	stileid.u32  }
0xaf: {  	s1 =	rddreg [dreg:$0x1];
	p0 =	sne.s32 s2, $0x0  }
0xb0: {  	s3 =	rddreg [dreg:$0x2];
	[bflag:$0x3] =	sbarrier.arrive $0xFFFF;
	s2 =	simm.s32 @!p0 $0x1C03  }
0xb1: {  	[timem:s3], [sflag:s2] =	dma.local @!p0 [hbm:s0], s1  }
0xb2: {  	s0 =	simm.s32 @!p0 $0x3  }
0xb3: {  	_ =	swait.ge @!p0 [sflag:s0], s1  }
0xb4: {  	s1 =	ssub.s32 @!p0 $0x0, s1;
	[sflag:s0] =	ssyncset.done @!p0 $0x0  }
0xb5: {  	[sflag:s0] =	ssyncadd.s32 @!p0 s1  }
0xb6: {  	[bflag:$0x3] =	sbarrier.arrive $0xFFFF  }
0xb7: {  	_ =	shalt  }

// kernel: kernel.15.cloned.1.call-start
scs
__scs_entry_jumppad:
0x0: {  	(pc) =	sbr.rel $0x88, $3  }
0x1: {  	(tag) =	ssettag $0x0;
	lr =	simm.s32 $0x1  }
0x2: {  	[smem:$0x3F97] =	sst lr;
	_ =	strace $0xD0000000  }
0x3: {  	_ = 	snop  }
0x4: {  	_ = 	snop  }
0x5: {  	_ = 	snop  }
0x6: {  	_ = 	snop  }
0x7: {  	_ = 	snop  }
__scs_overlays_trampoline_lowered:
0x8: {  	[smem:$0x3FA6] =	sst s0  }
0x9: {  	[smem:$0x3FA7] =	sst s1  }
0xa: {  	[smem:$0x3FA8] =	sst s2  }
0xb: {  	[smem:$0x3FA9] =	sst s3  }
0xc: {  	[smem:$0x3FAA] =	sst s4  }
0xd: {  	[smem:$0x3FAB] =	sst s5  }
0xe: {  	[smem:$0x3FAC] =	sst s6  }
0xf: {  	[smem:$0x3FAD] =	sst s7  }
0x10: {  	[smem:$0x3FAE] =	sst s8  }
0x11: {  	[smem:$0x3FAF] =	sst s9;
	s0 =	simm.s32 @!p0 $0x0  }
0x12: {  	s1 =	sld [smem:$0x3F95];
	s0 =	simm.s32 @p0 $0x1  }
0x13: {  	[smem:$0x3FB0] =	sst s0;
	s0 =	simm.s32 @!p1 $0x0  }
0x14: {  	s2 =	sld [smem:$0x3F94];
	s0 =	simm.s32 @p1 $0x1  }
0x15: {  	[smem:$0x3FB1] =	sst s0;
	s0 =	simm.s32 @!p2 $0x0  }
0x16: {  	s3 =	sld [smem:$0x3FDB];
	s0 =	simm.s32 @p2 $0x1  }
0x17: {  	s4 =	simm.s32 $0x1BF5;
	[smem:$0x3FB3] =	sst s0  }
0x18: {  	s0 =	sld [smem:$0x3F96];
	_ =	swait.ge [sflag:s4], $0x0  }
0x19: {  	s7 =	sld [smem:$0x3F97]  }
0x1a: {  	s8 =	sadd.s32 $0xFFFFE003, lr  }
0x1b: {  	s9 =	sadd.s32 $0xFFFFFEF7, lr;
	s5 =	simm.s32 $0xFFFFFFFF;
	p2 =	slt.u32 s8, $0xFFFFF086  }
0x1c: {  	p1 =	slt.u32 s9, $0xF7A;
	s5 =	simm.s32 @!p2 $0x0  }
0x1d: {  	s5 =	simm.s32 @p1 $0x1;
	p0 =	seq.s32 s7, s2  }
0x1e: {  	s7 =	smul.u32 @!p0 $0xF7A, s2;
	p2 =	seq.s32 @!p0 s5, $0x0  }
0x1f: {  	s9 =	smul.u32 $0xF7A, s1;
	s8 =	simm.s32 @!p0 $0x1BF5;
	p2 =	por !p2, p0  }
0x20: {  	[sflag:s8] =	ssyncset.s32 @!p0 $0xFFFFF086;
	s6 =	sadd.s32 @!p0 s3, s7;
	s7 =	simm.s32 @!p0 $0x108  }
0x21: {  	s3 =	sadd.s32 s3, s9;
	s6 =	sadd.s32 @!p0 $0x88, s6;
	s7 =	simm.s32 @p2 $0x1082  }
0x22: {  	[simem:s7], [sflag:s8] =	dma.local @!p0 [hbm:s6], $0xF7A  }
0x23: {  	s9 =	sor.u32 $0xD0000000, s2;
	s6 =	simm.s32 $0x108;
	_ =	swait.ge @!p0 [sflag:s8], $0x0  }
0x24: {  	s3 =	sadd.s32 $0x88, s3;
	s6 =	simm.s32 @!p1 $0x1082;
	[sflag:s4] =	ssyncset.s32 $0xFFFFF086  }
0x25: {  	[simem:s6], [sflag:s4] =	dma.local [hbm:s3], $0xF7A  }
0x26: {  	[smem:$0x3F97] =	sst s1;
	(tag) =	ssettag s2;
	_ =	strace s9  }
0x27: {  	s1 =	sld [smem:$0x3FA7]  }
0x28: {  	s2 =	sld [smem:$0x3FA8]  }
0x29: {  	s4 =	sld [smem:$0x3FAA]  }
0x2a: {  	p0 =	seq.s32 s5, $0x0;
	s5 =	sld [smem:$0x3FAB]  }
0x2b: {  	s6 =	sld [smem:$0x3FAC]  }
0x2c: {  	s7 =	sld [smem:$0x3FAD]  }
0x2d: {  	s3 =	simm.s32 $0x108;
	s8 =	sld [smem:$0x3FAE]  }
0x2e: {  	s3 =	simm.s32 @!p0 $0x1082;
	s9 =	sld [smem:$0x3FAF]  }
0x2f: {  	lr =	sadd.s32 s0, s3;
	s0 =	sld [smem:$0x3FA6]  }
0x30: {  	s3 =	sld [smem:$0x3FA9]  }
0x31: {  	[smem:$0x3FB2] =	sst s10  }
0x32: {  	s10 =	sld [smem:$0x3FB0];
	_ =	sdelay $0x3  }
0x33: {  	p0 =	seq.s32 s10, $0x1;
	s10 =	sld [smem:$0x3FB2];
	_ =	sdelay $0x3  }
0x34: {  	[smem:$0x3FB2] =	sst s10  }
0x35: {  	s10 =	sld [smem:$0x3FB1];
	_ =	sdelay $0x3  }
0x36: {  	p1 =	seq.s32 s10, $0x1;
	s10 =	sld [smem:$0x3FB2];
	_ =	sdelay $0x3  }
0x37: {  	[smem:$0x3FB2] =	sst s10  }
0x38: {  	s10 =	sld [smem:$0x3FB3]  }
0x39: {  	_ = 	snop;
	(pc) =	sbr.ind lr, $3  }
0x3a: {  	_ = 	snop  }
0x3b: {  	_ = 	snop  }
0x3c: {  	p2 =	seq.s32 s10, $0x1;
	s10 =	sld [smem:$0x3FB2]  }
0x3d: {  	_ =	shalt  }
0x3e: {  	_ =	shalt  }
0x3f: {  	_ =	shalt  }
0x40: {  	_ =	shalt  }
0x41: {  	_ =	shalt  }
0x42: {  	_ =	shalt  }
0x43: {  	_ =	shalt  }
0x44: {  	_ =	shalt  }
0x45: {  	_ =	shalt  }
0x46: {  	_ =	shalt  }
0x47: {  	_ =	shalt  }
0x48: {  	_ =	shalt  }
0x49: {  	_ =	shalt  }
0x4a: {  	_ =	shalt  }
0x4b: {  	_ =	shalt  }
0x4c: {  	_ =	shalt  }
0x4d: {  	_ =	shalt  }
0x4e: {  	_ =	shalt  }
0x4f: {  	_ =	shalt  }
0x50: {  	_ =	shalt  }
0x51: {  	_ =	shalt  }
0x52: {  	_ =	shalt  }
0x53: {  	_ =	shalt  }
0x54: {  	_ =	shalt  }
0x55: {  	_ =	shalt  }
0x56: {  	_ =	shalt  }
0x57: {  	_ =	shalt  }
0x58: {  	_ =	shalt  }
0x59: {  	_ =	shalt  }
0x5a: {  	_ =	shalt  }
0x5b: {  	_ =	shalt  }
0x5c: {  	_ =	shalt  }
0x5d: {  	_ =	shalt  }
0x5e: {  	_ =	shalt  }
0x5f: {  	_ =	shalt  }
0x60: {  	_ =	shalt  }
0x61: {  	_ =	shalt  }
0x62: {  	_ =	shalt  }
0x63: {  	_ =	shalt  }
0x64: {  	_ =	shalt  }
0x65: {  	_ =	shalt  }
0x66: {  	_ =	shalt  }
0x67: {  	_ =	shalt  }
0x68: {  	_ =	shalt  }
0x69: {  	_ =	shalt  }
0x6a: {  	_ =	shalt  }
0x6b: {  	_ =	shalt  }
0x6c: {  	_ =	shalt  }
0x6d: {  	_ =	shalt  }
0x6e: {  	_ =	shalt  }
0x6f: {  	_ =	shalt  }
0x70: {  	_ =	shalt  }
0x71: {  	_ =	shalt  }
0x72: {  	_ =	shalt  }
0x73: {  	_ =	shalt  }
0x74: {  	_ =	shalt  }
0x75: {  	_ =	shalt  }
0x76: {  	_ =	shalt  }
0x77: {  	_ =	shalt  }
0x78: {  	_ =	shalt  }
0x79: {  	_ =	shalt  }
0x7a: {  	_ =	shalt  }
0x7b: {  	_ =	shalt  }
0x7c: {  	_ =	shalt  }
0x7d: {  	_ =	shalt  }
0x7e: {  	_ =	shalt  }
0x7f: {  	_ =	shalt  }
0x80: {  	_ =	shalt  }
0x81: {  	_ =	shalt  }
0x82: {  	_ =	shalt  }
0x83: {  	_ =	shalt  }
0x84: {  	_ =	shalt  }
0x85: {  	_ =	shalt  }
0x86: {  	_ =	shalt  }
0x87: {  	_ =	shalt  }
.Lfunc_end0:
.L_simem_size_0:
called_computation.2_lowered:
.L_overlay_start_0:
0x88: {  	s2 =	sld [smem:$0x3FD9]  }
0x89: {  	s3 =	sld [smem:$0x3FFE];
	_ =	sdelay $0x1  }
0x8a: {  	s1 =	srdreg.scid  }
0x8b: {  	s0 =	sand.u32 $0x1, s1  }
0x8c: {  	s16 =	sshll.u32 s0, $0xA;
	s2 =	sadd.s32 s3, s2  }
0x8d: {  	s2 =	sadd.s32 s2, s16  }
0x8e: {  	[smem:$0x3FBE] =	sst s2  }
0x8f: {  	_ = 	snop  }
0x90: {  	(tm) =	ssettm $0x1  }
0x91: {  	s17 =	sld [smem:$0x3FFB];
	_ =	sdelay $0x3  }
0x92: {  	_ =	strace s17  }
0x93: {  	s2 =	sld [smem:$0x3FFC];
	_ =	sdelay $0x3  }
0x94: {  	_ =	strace s2  }
0x95: {  	s2 =	sld [smem:$0x3FFD];
	_ =	sdelay $0x3  }
0x96: {  	_ =	strace s2  }
0x97: {  	_ =	strace $0x8FFFFFFF  }
0x98: {  	s18 =	sld [smem:$0x3FDB];
	_ =	sdelay $0x1  }
0x99: {  	s19 =	simm.s32 $_scs_section_size  }
0x9a: {  	s4 =	simm.s32 $_size__tile_overlayer_lowered;
	s5 =	simm.s32 $_tile_overlayer_lowered  }
0x9b: {  	s22 =	simm.s32 $0x1BFF;
	s21 =	sshll.u32 s5, $0x1;
	s2 =	sadd.s32 s19, s18  }
0x9c: {  	s6 =	simm.s32 $0x0;
	s20 =	sshll.u32 s4, $0x1;
	s4 =	sadd.s32 s21, s2  }
0x9d: {  	[timem:s6], [sflag:s22] =	dma.local [hbm:s4], s20  }
0x9e: {  	_ =	swait.ge [sflag:s22], s20  }
0x9f: {  	s3 =	ssub.s32 $0x0, s20;
	[sflag:s22] =	ssyncset.done $0x0  }
0xa0: {  	[sflag:s22] =	ssyncadd.s32 s3;
	_ =	sdelay $0x1  }
0xa1: {  	s23 =	simm.s32 $0x1B8B  }
0xa2: {  	_ =	swait.ge [sflag:s23], $0x1  }
0xa3: {  	[sflag:s23] =	ssyncset.done $0x0  }
0xa4: {  	s25 =	simm.s32 $0x1B8E;
	s24 =	sld [smem:$0x3FFE];
	[sflag:s23] =	ssyncadd.s32 $0xFFFFFFFF  }
0xa5: {  	s26 =	simm.s32 $execute0_lowered;
	[smem:$0x3FD2] =	sst s25  }
0xa6: {  	s4 =	sshll.u32 s26, $0x1;
	_ =	strace $0x8000004C;
	[dreg:$0x1] =	wrdreg $0xFFFFFFFF  }
0xa7: {  	s28 =	simm.s32 $_size_execute0_lowered;
	s2 =	sadd.s32 s2, s4;
	[dreg:$0x0] =	wrdreg $0x0  }
0xa8: {  	s4 =	sshll.u32 s28, $0x1;
	[dreg:$0x2] =	wrdreg s2  }
0xa9: {  	[dreg:$0x3] =	wrdreg s4  }
0xaa: {  	[dreg:$0x4] =	wrdreg $0xC0  }
0xab: {  	_ =	task [dreg:s6], $0x5FFFF  }
0xac: {  	[dreg:$0x1] =	wrdreg $0xFFFFFFFF  }
0xad: {  	[dreg:$0x0] =	wrdreg $0x60  }
0xae: {  	[dreg:$0x2] =	wrdreg s24  }
0xaf: {  	[dreg:$0x3] =	wrdreg $0x9  }
0xb0: {  	_ =	task.clear_ibuf [dreg:s6], $0x4FFFF;
	_ =	strace $0x9000004C  }
0xb1: {  	s29 =	simm.s32 $0x9;
	_ =	strace $0x8000004E  }
0xb2: {  	_ =	swait.ge [sflag:s29], $0x1  }
0xb3: {  	[sflag:s29] =	ssyncadd.s32 $0xFFFFFFFF  }
0xb4: {  	_ =	strace $0x9000004E  }
0xb5: {  	_ =	sfence  }
0xb6: {  	s30 =	sld [smem:$0x0];
	_ =	sdelay $0x2  }
0xb7: {  	s31 =	sshll.u32 s1, $0xD;
	s1 =	sshrl.u32 s1, $0x2  }
0xb8: {  	s3 =	sand.u32 $0x4000, s31;
	s1 =	sadd.s32 s1, s30  }
0xb9: {  	s0 =	sor.u32 s3, s0;
	s1 =	sshll.u32 s1, $0x11  }
0xba: {  	s0 =	sor.u32 s1, s0  }
0xbb: {  	s0 =	sadd.s32 $0x8F2B, s0  }
0xbc: {  	[sflag:s0] =	ssyncadd.remote.s32 $0x1  }
0xbd: {  	_ =	sfence.sel $0xFFFF  }
0xbe: {  	[dreg:$0x0] =	wrdreg $0xFFFFFFFF;
	(pc) =	sbr.abs _section_cstart, $3  }
0xbf: {  	[dreg:$0x1] =	wrdreg $0xFFFFFFFF  }
0xc0: {  	_ =	task.clear_ibuf [dreg:s6], $0x2FFFF;
	_ =	strace $0x9FFFFFFF  }
0xc1: {  	(tm) =	ssettm $0x7FFFFFFF  }
tec
execute0_lowered:
.L_overlay_start_1:
0x0: {  	(tag) =	ssettag $0x1  }
0x1: {  	s1 =	srdreg.scid  }
0x2: {  	s0 =	stileid.u32;
	s9 =	rddreg [dreg:$0x0];
	s6 =	sand.u32 $0x1, s1  }
0x3: {  	s7 =	simm.s32 $0x80;
	s2 =	sshll.u32 s0, $0x5;
	s1 =	sshll.u32 s6, $0x9  }
0x4: {  	s8 =	simm.s32 $0x1;
	s5 =	sadd.s32 $0x2E00, s9;
	s10 =	sor.u32 s2, s1  }
0x5: {  	s1 =	rddreg [dreg:$0x1];
	s2 =	simm.s32 $0x0;
	s3 =	sshrl.u32 s10, $0x3  }
0x6: {  	s11 =	ssub.s32 $0x2, s6;
	[smem:$0x7FF] =	sst s2;
	s3 =	sadd.s32 s3, s9  }
0x7: {  	_ =	strace $0x8000004D;
	s4 =	sadd.s32 $0x83400, s3;
	s3 =	simm.s32 $0x2  }
0x8: {  	[tilespmem:s2], [sflag:$0x2] =	stream.linear.gather [hbm4b:s4+s2], $0x20, $0x38;
	[tilespmem:$0x1080] =	vst v63  }
0x9: {  	s6 =	simm.s32 $0x20;
	s12 =	sshrl.u32 s11, $0x1;
	_ =	swait.ge [sflag:s3], $0x20  }
0xa: {  	s10 =	sshll.u32 s10, $0x4;
	s31 =	ssub.s32 s11, s12;
	[sflag:s3] =	ssyncset.done $0x0  }
0xb: {  	s9 =	sadd.s32 s10, s9;
	s10 =	smax.u32 s31, $0x1;
	[sflag:s3] =	ssyncadd.s32 $0xFFFFFFE0  }
0xc: {  	[tilespmem:s7], [sflag:$0x1] =	stream.indirect.gather [hbm4b:s5+s6], $0x80, s2, s6, $0xb8;
	[tilespmem:$0x1080] =	vst v63  }
0xd: {  	p0 =	sne.s32 s10, $0x1;
	_ =	swait.ge [sflag:s8], $0x1000  }
.Ltmp0:
0xe: {  	[sflag:s8] =	ssyncset.done $0x0;
	(pc) =	sbr.rel @!p0 .LBB2_2-.Ltmp0, $4  }
0xf: {  	s9 =	sadd.s32 $0x2A600, s9;
	[sflag:s8] =	ssyncadd.s32 $0xFFFFF000  }
0x10: {  	[hbm4b:s9+s2] =	stream.linear.scatter [tilespmem:s7], [sflag:$0x2], $0x1000, $0x38;
	[tilespmem:$0x1080] =	vst v63  }
0x11: {  	_ =	swait.ge [sflag:s3], $0x1000  }
0x12: {  	s10 =	sadd.s32 $0xFFFFFFFF, s10;
	[sflag:s3] =	ssyncset.done $0x0  }
.LBB2_1:
0x13: {  	p0 =	sne.s32 s10, $0x1;
	s10 =	sadd.s32 $0xFFFFFFFF, s10;
	[sflag:s3] =	ssyncadd.s32 $0xFFFFF000  }
0x14: {  	[tilespmem:s2], [sflag:$0x2] =	stream.linear.gather [hbm4b:s4+s2], $0x20, $0x38;
	[tilespmem:$0x1080] =	vst v63  }
0x15: {  	_ =	swait.ge [sflag:s3], $0x20  }
0x16: {  	[sflag:s3] =	ssyncset.done $0x0  }
0x17: {  	[sflag:s3] =	ssyncadd.s32 $0xFFFFFFE0  }
0x18: {  	[tilespmem:s7], [sflag:$0x1] =	stream.indirect.gather [hbm4b:s5+s6], $0x80, s2, s6, $0xb8;
	[tilespmem:$0x1080] =	vst v63  }
0x19: {  	_ =	swait.ge [sflag:s8], $0x1000  }
.Ltmp1:
0x1a: {  	[sflag:s8] =	ssyncset.done $0x0;
	(pc) =	sbr.rel @p0 .LBB2_1-.Ltmp1, $4  }
0x1b: {  	[sflag:s8] =	ssyncadd.s32 $0xFFFFF000  }
0x1c: {  	[hbm4b:s9+s2] =	stream.linear.scatter [tilespmem:s7], [sflag:$0x2], $0x1000, $0x38;
	[tilespmem:$0x1080] =	vst v63  }
0x1d: {  	_ =	swait.ge [sflag:s3], $0x1000  }
0x1e: {  	[sflag:s3] =	ssyncset.done $0x0  }
.LBB2_2:
0x1f: {  	[sflag:s3] =	ssyncadd.s32 $0xFFFFF000  }
0x20: {  	_ =	sfence.sel $0x180000  }
0x21: {  	[bflag:$0x0] =	sbarrier.arrive $0xFFFF  }
0x22: {  	p0 =	sne.s32 s0, $0x0;
	_ =	strace $0x9000004D  }
0x23: {  	s0 =	sadd.s32 @!p0 $0x100000, s1;
	[bflag:$0x2] =	sbarrier.arrive $0xFFFF  }
0x24: {  	[sflag:s0] =	ssyncadd.tile.s32 @!p0 $0x1;
	_ =	shalt  }
.Lfunc_end2:
_tile_overlayer_lowered:
.L_overlay_start_2:
0x25: {  	(tag) =	ssettag $0x2  }
0x26: {  	s0 =	rddreg [dreg:$0x0];
	s2 =	stileid.u32  }
0x27: {  	s1 =	rddreg [dreg:$0x1];
	p0 =	sne.s32 s2, $0x0  }
0x28: {  	s3 =	rddreg [dreg:$0x2];
	[bflag:$0x3] =	sbarrier.arrive $0xFFFF;
	s2 =	simm.s32 @!p0 $0x1C02  }
0x29: {  	[timem:s3], [sflag:s2] =	dma.local @!p0 [hbm:s0], s1  }
0x2a: {  	s0 =	simm.s32 @!p0 $0x2  }
0x2b: {  	_ =	swait.ge @!p0 [sflag:s0], s1  }
0x2c: {  	s1 =	ssub.s32 @!p0 $0x0, s1;
	[sflag:s0] =	ssyncset.done @!p0 $0x0  }
0x2d: {  	[sflag:s0] =	ssyncadd.s32 @!p0 s1  }
0x2e: {  	[bflag:$0x3] =	sbarrier.arrive $0xFFFF  }
0x2f: {  	_ =	shalt  }

// kernel: kernel.9.cloned.1.call-start
scs
__scs_entry_jumppad:
0x0: {  	(pc) =	sbr.rel $0x88, $3  }
0x1: {  	(tag) =	ssettag $0x0;
	lr =	simm.s32 $0x1  }
0x2: {  	[smem:$0x3F97] =	sst lr;
	_ =	strace $0xD0000000  }
0x3: {  	_ = 	snop  }
0x4: {  	_ = 	snop  }
0x5: {  	_ = 	snop  }
0x6: {  	_ = 	snop  }
0x7: {  	_ = 	snop  }
__scs_overlays_trampoline_lowered:
0x8: {  	[smem:$0x3FA6] =	sst s0  }
0x9: {  	[smem:$0x3FA7] =	sst s1  }
0xa: {  	[smem:$0x3FA8] =	sst s2  }
0xb: {  	[smem:$0x3FA9] =	sst s3  }
0xc: {  	[smem:$0x3FAA] =	sst s4  }
0xd: {  	[smem:$0x3FAB] =	sst s5  }
0xe: {  	[smem:$0x3FAC] =	sst s6  }
0xf: {  	[smem:$0x3FAD] =	sst s7  }
0x10: {  	[smem:$0x3FAE] =	sst s8  }
0x11: {  	[smem:$0x3FAF] =	sst s9;
	s0 =	simm.s32 @!p0 $0x0  }
0x12: {  	s1 =	sld [smem:$0x3F95];
	s0 =	simm.s32 @p0 $0x1  }
0x13: {  	[smem:$0x3FB0] =	sst s0;
	s0 =	simm.s32 @!p1 $0x0  }
0x14: {  	s2 =	sld [smem:$0x3F94];
	s0 =	simm.s32 @p1 $0x1  }
0x15: {  	[smem:$0x3FB1] =	sst s0;
	s0 =	simm.s32 @!p2 $0x0  }
0x16: {  	s3 =	sld [smem:$0x3FDB];
	s0 =	simm.s32 @p2 $0x1  }
0x17: {  	s4 =	simm.s32 $0x1BF5;
	[smem:$0x3FB3] =	sst s0  }
0x18: {  	s0 =	sld [smem:$0x3F96];
	_ =	swait.ge [sflag:s4], $0x0  }
0x19: {  	s7 =	sld [smem:$0x3F97]  }
0x1a: {  	s8 =	sadd.s32 $0xFFFFE003, lr  }
0x1b: {  	s9 =	sadd.s32 $0xFFFFFEF7, lr;
	s5 =	simm.s32 $0xFFFFFFFF;
	p2 =	slt.u32 s8, $0xFFFFF086  }
0x1c: {  	p1 =	slt.u32 s9, $0xF7A;
	s5 =	simm.s32 @!p2 $0x0  }
0x1d: {  	s5 =	simm.s32 @p1 $0x1;
	p0 =	seq.s32 s7, s2  }
0x1e: {  	s7 =	smul.u32 @!p0 $0xF7A, s2;
	p2 =	seq.s32 @!p0 s5, $0x0  }
0x1f: {  	s9 =	smul.u32 $0xF7A, s1;
	s8 =	simm.s32 @!p0 $0x1BF5;
	p2 =	por !p2, p0  }
0x20: {  	[sflag:s8] =	ssyncset.s32 @!p0 $0xFFFFF086;
	s6 =	sadd.s32 @!p0 s3, s7;
	s7 =	simm.s32 @!p0 $0x108  }
0x21: {  	s3 =	sadd.s32 s3, s9;
	s6 =	sadd.s32 @!p0 $0x88, s6;
	s7 =	simm.s32 @p2 $0x1082  }
0x22: {  	[simem:s7], [sflag:s8] =	dma.local @!p0 [hbm:s6], $0xF7A  }
0x23: {  	s9 =	sor.u32 $0xD0000000, s2;
	s6 =	simm.s32 $0x108;
	_ =	swait.ge @!p0 [sflag:s8], $0x0  }
0x24: {  	s3 =	sadd.s32 $0x88, s3;
	s6 =	simm.s32 @!p1 $0x1082;
	[sflag:s4] =	ssyncset.s32 $0xFFFFF086  }
0x25: {  	[simem:s6], [sflag:s4] =	dma.local [hbm:s3], $0xF7A  }
0x26: {  	[smem:$0x3F97] =	sst s1;
	(tag) =	ssettag s2;
	_ =	strace s9  }
0x27: {  	s1 =	sld [smem:$0x3FA7]  }
0x28: {  	s2 =	sld [smem:$0x3FA8]  }
0x29: {  	s4 =	sld [smem:$0x3FAA]  }
0x2a: {  	p0 =	seq.s32 s5, $0x0;
	s5 =	sld [smem:$0x3FAB]  }
0x2b: {  	s6 =	sld [smem:$0x3FAC]  }
0x2c: {  	s7 =	sld [smem:$0x3FAD]  }
0x2d: {  	s3 =	simm.s32 $0x108;
	s8 =	sld [smem:$0x3FAE]  }
0x2e: {  	s3 =	simm.s32 @!p0 $0x1082;
	s9 =	sld [smem:$0x3FAF]  }
0x2f: {  	lr =	sadd.s32 s0, s3;
	s0 =	sld [smem:$0x3FA6]  }
0x30: {  	s3 =	sld [smem:$0x3FA9]  }
0x31: {  	[smem:$0x3FB2] =	sst s10  }
0x32: {  	s10 =	sld [smem:$0x3FB0];
	_ =	sdelay $0x3  }
0x33: {  	p0 =	seq.s32 s10, $0x1;
	s10 =	sld [smem:$0x3FB2];
	_ =	sdelay $0x3  }
0x34: {  	[smem:$0x3FB2] =	sst s10  }
0x35: {  	s10 =	sld [smem:$0x3FB1];
	_ =	sdelay $0x3  }
0x36: {  	p1 =	seq.s32 s10, $0x1;
	s10 =	sld [smem:$0x3FB2];
	_ =	sdelay $0x3  }
0x37: {  	[smem:$0x3FB2] =	sst s10  }
0x38: {  	s10 =	sld [smem:$0x3FB3]  }
0x39: {  	_ = 	snop;
	(pc) =	sbr.ind lr, $3  }
0x3a: {  	_ = 	snop  }
0x3b: {  	_ = 	snop  }
0x3c: {  	p2 =	seq.s32 s10, $0x1;
	s10 =	sld [smem:$0x3FB2]  }
0x3d: {  	_ =	shalt  }
0x3e: {  	_ =	shalt  }
0x3f: {  	_ =	shalt  }
0x40: {  	_ =	shalt  }
0x41: {  	_ =	shalt  }
0x42: {  	_ =	shalt  }
0x43: {  	_ =	shalt  }
0x44: {  	_ =	shalt  }
0x45: {  	_ =	shalt  }
0x46: {  	_ =	shalt  }
0x47: {  	_ =	shalt  }
0x48: {  	_ =	shalt  }
0x49: {  	_ =	shalt  }
0x4a: {  	_ =	shalt  }
0x4b: {  	_ =	shalt  }
0x4c: {  	_ =	shalt  }
0x4d: {  	_ =	shalt  }
0x4e: {  	_ =	shalt  }
0x4f: {  	_ =	shalt  }
0x50: {  	_ =	shalt  }
0x51: {  	_ =	shalt  }
0x52: {  	_ =	shalt  }
0x53: {  	_ =	shalt  }
0x54: {  	_ =	shalt  }
0x55: {  	_ =	shalt  }
0x56: {  	_ =	shalt  }
0x57: {  	_ =	shalt  }
0x58: {  	_ =	shalt  }
0x59: {  	_ =	shalt  }
0x5a: {  	_ =	shalt  }
0x5b: {  	_ =	shalt  }
0x5c: {  	_ =	shalt  }
0x5d: {  	_ =	shalt  }
0x5e: {  	_ =	shalt  }
0x5f: {  	_ =	shalt  }
0x60: {  	_ =	shalt  }
0x61: {  	_ =	shalt  }
0x62: {  	_ =	shalt  }
0x63: {  	_ =	shalt  }
0x64: {  	_ =	shalt  }
0x65: {  	_ =	shalt  }
0x66: {  	_ =	shalt  }
0x67: {  	_ =	shalt  }
0x68: {  	_ =	shalt  }
0x69: {  	_ =	shalt  }
0x6a: {  	_ =	shalt  }
0x6b: {  	_ =	shalt  }
0x6c: {  	_ =	shalt  }
0x6d: {  	_ =	shalt  }
0x6e: {  	_ =	shalt  }
0x6f: {  	_ =	shalt  }
0x70: {  	_ =	shalt  }
0x71: {  	_ =	shalt  }
0x72: {  	_ =	shalt  }
0x73: {  	_ =	shalt  }
0x74: {  	_ =	shalt  }
0x75: {  	_ =	shalt  }
0x76: {  	_ =	shalt  }
0x77: {  	_ =	shalt  }
0x78: {  	_ =	shalt  }
0x79: {  	_ =	shalt  }
0x7a: {  	_ =	shalt  }
0x7b: {  	_ =	shalt  }
0x7c: {  	_ =	shalt  }
0x7d: {  	_ =	shalt  }
0x7e: {  	_ =	shalt  }
0x7f: {  	_ =	shalt  }
0x80: {  	_ =	shalt  }
0x81: {  	_ =	shalt  }
0x82: {  	_ =	shalt  }
0x83: {  	_ =	shalt  }
0x84: {  	_ =	shalt  }
0x85: {  	_ =	shalt  }
0x86: {  	_ =	shalt  }
0x87: {  	_ =	shalt  }
.Lfunc_end0:
.L_simem_size_0:
called_computation_lowered:
.L_overlay_start_0:
0x88: {  	s2 =	sld [smem:$0x3FD9]  }
0x89: {  	s3 =	sld [smem:$0x3FFE];
	_ =	sdelay $0x1  }
0x8a: {  	s1 =	srdreg.scid  }
0x8b: {  	s0 =	sand.u32 $0x1, s1  }
0x8c: {  	s14 =	sshll.u32 s0, $0xA;
	s2 =	sadd.s32 s3, s2  }
0x8d: {  	s2 =	sadd.s32 s2, s14  }
0x8e: {  	[smem:$0x3FBE] =	sst s2  }
0x8f: {  	_ = 	snop  }
0x90: {  	s2 =	sld [smem:$0x3FD0];
	_ =	sdelay $0x2  }
0x91: {  	s15 =	simm.s32 $0xA;
	s4 =	simm.s32 $0x10  }
0x92: {  	[smem:s4], [sflag:s15] =	dma.local [hbm:s2], $0x1  }
0x93: {  	_ =	swait.eq [sflag:s15], $0x1  }
0x94: {  	[sflag:s15] =	ssyncset.done $0x0  }
0x95: {  	[sflag:s15] =	ssyncadd.s32 $0xFFFFFFFF  }
0x96: {  	s16 =	sld [smem:$0x10];
	(tm) =	ssettm $0x1  }
0x97: {  	s17 =	sld [smem:$0x3FFB];
	_ =	sdelay $0x3  }
0x98: {  	_ =	strace s17  }
0x99: {  	s3 =	sld [smem:$0x3FFC];
	_ =	sdelay $0x3  }
0x9a: {  	_ =	strace s3  }
0x9b: {  	s3 =	sld [smem:$0x3FFD];
	_ =	sdelay $0x3  }
0x9c: {  	_ =	strace s3  }
0x9d: {  	_ =	strace $0x8FFFFFFF  }
0x9e: {  	s18 =	sld [smem:$0x3FDB];
	_ =	sdelay $0x1  }
0x9f: {  	s19 =	simm.s32 $_scs_section_size  }
0xa0: {  	s5 =	simm.s32 $_size__tile_overlayer_lowered;
	s6 =	simm.s32 $_tile_overlayer_lowered  }
0xa1: {  	s22 =	simm.s32 $0x1BFF;
	s21 =	sshll.u32 s6, $0x1;
	s3 =	sadd.s32 s19, s18  }
0xa2: {  	s7 =	simm.s32 $0x0;
	s20 =	sshll.u32 s5, $0x1;
	s5 =	sadd.s32 s21, s3  }
0xa3: {  	[timem:s7], [sflag:s22] =	dma.local [hbm:s5], s20  }
0xa4: {  	_ =	swait.ge [sflag:s22], s20  }
0xa5: {  	s4 =	ssub.s32 $0x0, s20;
	[sflag:s22] =	ssyncset.done $0x0  }
0xa6: {  	[sflag:s22] =	ssyncadd.s32 s4;
	_ =	sdelay $0x1  }
0xa7: {  	s23 =	simm.s32 $0x1B8B  }
0xa8: {  	_ =	swait.ge [sflag:s23], $0x1  }
0xa9: {  	[sflag:s23] =	ssyncset.done $0x0  }
0xaa: {  	s25 =	simm.s32 $0x1B8E;
	s24 =	sld [smem:$0x3FFE];
	[sflag:s23] =	ssyncadd.s32 $0xFFFFFFFF  }
0xab: {  	s26 =	simm.s32 $execute0_lowered;
	[smem:$0x3FD2] =	sst s25  }
0xac: {  	s5 =	sshll.u32 s26, $0x1;
	_ =	strace $0x80000046;
	[dreg:$0x1] =	wrdreg $0xFFFFFFFF  }
0xad: {  	s28 =	simm.s32 $_size_execute0_lowered;
	s3 =	sadd.s32 s3, s5;
	[dreg:$0x0] =	wrdreg $0x0  }
0xae: {  	s5 =	sshll.u32 s28, $0x1;
	[dreg:$0x2] =	wrdreg s3  }
0xaf: {  	[dreg:$0x3] =	wrdreg s5  }
0xb0: {  	[dreg:$0x4] =	wrdreg $0xC0  }
0xb1: {  	_ =	task [dreg:s7], $0x5FFFF  }
0xb2: {  	[dreg:$0x1] =	wrdreg $0xFFFFFFFF  }
0xb3: {  	[dreg:$0x0] =	wrdreg $0x60  }
0xb4: {  	[dreg:$0x2] =	wrdreg s24  }
0xb5: {  	[dreg:$0x3] =	wrdreg s16  }
0xb6: {  	[dreg:$0x4] =	wrdreg $0xC1000  }
0xb7: {  	[dreg:$0x5] =	wrdreg $0x9  }
0xb8: {  	_ =	task.clear_ibuf [dreg:s7], $0x6FFFF;
	_ =	strace $0x90000046  }
0xb9: {  	s29 =	simm.s32 $0x9;
	_ =	strace $0x80000048  }
0xba: {  	_ =	swait.ge [sflag:s29], $0x1  }
0xbb: {  	[sflag:s29] =	ssyncadd.s32 $0xFFFFFFFF  }
0xbc: {  	_ =	strace $0x90000048  }
0xbd: {  	_ =	sfence  }
0xbe: {  	s30 =	sld [smem:$0x0];
	_ =	sdelay $0x2  }
0xbf: {  	s31 =	sshll.u32 s1, $0xD;
	s1 =	sshrl.u32 s1, $0x2  }
0xc0: {  	s3 =	sand.u32 $0x4000, s31;
	s1 =	sadd.s32 s1, s30  }
0xc1: {  	s0 =	sor.u32 s3, s0;
	s1 =	sshll.u32 s1, $0x11  }
0xc2: {  	s0 =	sor.u32 s1, s0  }
0xc3: {  	s0 =	sadd.s32 $0x8F2B, s0  }
0xc4: {  	[sflag:s0] =	ssyncadd.remote.s32 $0x1  }
0xc5: {  	_ =	sfence.sel $0xFFFF  }
0xc6: {  	[dreg:$0x0] =	wrdreg $0xFFFFFFFF;
	(pc) =	sbr.abs _section_cstart, $3  }
0xc7: {  	[dreg:$0x1] =	wrdreg $0xFFFFFFFF  }
0xc8: {  	_ =	task.clear_ibuf [dreg:s7], $0x2FFFF;
	_ =	strace $0x9FFFFFFF  }
0xc9: {  	(tm) =	ssettm $0x7FFFFFFF  }
tec
execute0_lowered:
.L_overlay_start_1:
0x0: {  	(tag) =	ssettag $0x1  }
0x1: {  	s0 =	rddreg [dreg:$0x0]  }
0x2: {  	s1 =	rddreg [dreg:$0x1]  }
0x3: {  	s2 =	rddreg [dreg:$0x2]  }
0x4: {  	s4 =	simm.s32 $0x0;
	s3 =	srdreg.scid;
	s12 =	stileid.u32  }
0x5: {  	s19 =	simm.s32 $0x8100;
	s20 =	simm.s32 $0x3;
	s21 =	simm.s32 $0x80  }
0x6: {  	s22 =	simm.s32 $0x100;
	s23 =	simm.s32 $0x4100;
	s24 =	simm.s32 $0x1  }
0x7: {  	s25 =	simm.s32 $0x2;
	s26 =	simm.s32 $0x0;
	[smem:$0x7FF] =	sst s4  }
0x8: {  	s3 =	sand.u32 $0x1, s3;
	s5 =	sadd.s32 $0xCC00, s0;
	s8 =	smul.u32 $0x4F000, s12  }
0x9: {  	s6 =	sadd.s32 $0x2E00, s0;
	s0 =	sadd.s32 $0x34400, s0;
	s11 =	smul.u32 $0x13C00, s12  }
0xa: {  	_ =	strace $0x80000047;
	s7 =	ssub.s32 $0x2, s3;
	s10 =	sshll.u32 s3, $0x4  }
0xb: {  	s3 =	smul.u32 $0x13C000, s3;
	s9 =	sshrl.u32 s7, $0x1;
	s8 =	sshrl.u32 s8, $0x2  }
0xc: {  	s12 =	sor.u32 s12, s10;
	s14 =	sadd.s32 $0x4000, s11;
	s15 =	sadd.s32 $0x8000, s11  }
0xd: {  	s16 =	sadd.s32 $0xC000, s11;
	s17 =	sadd.s32 $0x10000, s11;
	s13 =	ssub.s32 s7, s9  }
0xe: {  	s7 =	sadd.s32 s8, s2;
	s8 =	sadd.s32 s14, s2;
	s9 =	sadd.s32 s15, s2  }
0xf: {  	s10 =	sadd.s32 s16, s2;
	s18 =	sadd.s32 s11, s3;
	s11 =	sadd.s32 s17, s2  }
0x10: {  	s14 =	sadd.s32 s3, s14;
	s12 =	smul.u32 $0x4F, s12;
	s15 =	sadd.s32 s3, s15  }
0x11: {  	s16 =	sadd.s32 s3, s16;
	s3 =	sadd.s32 s3, s17;
	s18 =	sshrl.u32 s18, $0x3  }
0x12: {  	s14 =	sshrl.u32 s14, $0x3;
	s15 =	sshrl.u32 s15, $0x3;
	s16 =	sshrl.u32 s16, $0x3  }
0x13: {  	v1 =	vlaneseq.u32;
	s3 =	sshrl.u32 s3, $0x3;
	s18 =	sadd.s32 s0, s18;
	s14 =	sadd.s32 s0, s14  }
0x14: {  	v0 =	vimm.f32 $0.0e+00;
	v1 =	vshrl.u32 v1, $0x3;
	s15 =	sadd.s32 s0, s15;
	s16 =	sadd.s32 s0, s16;
	[dreg:$0x4] =	wrdreg s18  }
0x15: {  	v2 =	vor.u32 $0x2, v1;
	v3 =	vor.u32 $0x4, v1;
	v4 =	vor.u32 $0x6, v1;
	s17 =	sadd.s32 s0, s3;
	[dreg:$0x5] =	wrdreg s14;
	s18 =	smax.u32 s13, $0x1  }
.LBB2_1:
0x16: {  	s0 =	simm.s32 $0x0;
	s3 =	simm.s32 $0x200  }
.LBB2_2:
0x17: {  	p0 =	sne.s32 s3, $0xFE00;
	[tilespmem:s0+$0x8170] =	vst v0  }
0x18: {  	[tilespmem:s0+$0x8100] =	vst v0  }
0x19: {  	[tilespmem:s0+$0x8110] =	vst v0  }
.Ltmp0:
0x1a: {  	[tilespmem:s0+$0x8120] =	vst v0;
	(pc) =	sbr.rel @p0 .LBB2_2-.Ltmp0, $4  }
0x1b: {  	[tilespmem:s0+$0x8130] =	vst v0  }
0x1c: {  	[tilespmem:s0+$0x8140] =	vst v0  }
0x1d: {  	[tilespmem:s0+$0x8150] =	vst v0  }
0x1e: {  	[tilespmem:s0+$0x8160] =	vst v0;
	s0 =	sshra.s32 s3, $0x2;
	s3 =	sadd.s32 $0x200, s3  }
0x1f: {  	[tilespmem:s0+$0x8170] =	vst v0  }
0x20: {  	[tilespmem:s0+$0x8100] =	vst v0  }
0x21: {  	[tilespmem:s0+$0x8110] =	vst v0  }
0x22: {  	[tilespmem:s0+$0x8120] =	vst v0  }
0x23: {  	[tilespmem:s0+$0x8130] =	vst v0  }
0x24: {  	[tilespmem:s0+$0x8140] =	vst v0  }
0x25: {  	[tilespmem:s0+$0x8150] =	vst v0  }
0x26: {  	[tilespmem:s0+$0x8160] =	vst v0  }
0x27: {  	[spmem:s7] =	stream.linear.scatter [tilespmem:s19], [sflag:$0x3], $0x4000, $0x38;
	[tilespmem:$0x1FD00] =	vst v63  }
0x28: {  	_ =	swait.ge [sflag:s20], $0x4000  }
0x29: {  	[sflag:s20] =	ssyncset.done $0x0  }
0x2a: {  	[sflag:s20] =	ssyncadd.s32 $0xFFFFC000  }
0x2b: {  	[spmem:s8] =	stream.linear.scatter [tilespmem:s19], [sflag:$0x3], $0x4000, $0x38;
	[tilespmem:$0x1FD00] =	vst v63  }
0x2c: {  	_ =	swait.ge [sflag:s20], $0x4000  }
0x2d: {  	[sflag:s20] =	ssyncset.done $0x0  }
0x2e: {  	[sflag:s20] =	ssyncadd.s32 $0xFFFFC000  }
0x2f: {  	[spmem:s9] =	stream.linear.scatter [tilespmem:s19], [sflag:$0x3], $0x4000, $0x38;
	[tilespmem:$0x1FD00] =	vst v63  }
0x30: {  	_ =	swait.ge [sflag:s20], $0x4000  }
0x31: {  	[sflag:s20] =	ssyncset.done $0x0  }
0x32: {  	[sflag:s20] =	ssyncadd.s32 $0xFFFFC000  }
0x33: {  	[spmem:s10] =	stream.linear.scatter [tilespmem:s19], [sflag:$0x3], $0x4000, $0x38;
	[tilespmem:$0x1FD00] =	vst v63  }
0x34: {  	_ =	swait.ge [sflag:s20], $0x4000  }
0x35: {  	[sflag:s20] =	ssyncset.done $0x0  }
0x36: {  	[sflag:s20] =	ssyncadd.s32 $0xFFFFC000  }
0x37: {  	[spmem:s11] =	stream.linear.scatter [tilespmem:s19], [sflag:$0x3], $0x3C00, $0x38;
	[tilespmem:$0x1FD00] =	vst v63  }
0x38: {  	_ =	swait.ge [sflag:s20], $0x3C00  }
0x39: {  	[sflag:s20] =	ssyncset.done $0x0  }
0x3a: {  	[sflag:s20] =	ssyncadd.s32 $0xFFFFC400  }
0x3b: {  	s28 =	simm.s32 $0x0;
	[bflag:$0x0] =	sbarrier.arrive $0xFFFF  }
.LBB2_4:
0x3c: {  	s0 =	sadd.s32 s12, s28  }
0x3d: {  	s0 =	sshll.u32 s0, $0x4  }
0x3e: {  	s3 =	sadd.s32 s1, s0  }
0x3f: {  	[tilespmem:s26], [sflag:$0x3] =	stream.linear.gather [hbm4b:s3+s26], $0x80, $0x38;
	[tilespmem:$0x1FD00] =	vst v63  }
0x40: {  	_ =	swait.ge [sflag:s20], $0x80  }
0x41: {  	[sflag:s20] =	ssyncset.done $0x0  }
0x42: {  	s0 =	sadd.s32 s6, s0;
	[sflag:s20] =	ssyncadd.s32 $0xFFFFFF80  }
0x43: {  	[tilespmem:s21], [sflag:$0x3] =	stream.linear.gather [hbm4b:s0+s26], $0x80, $0x38;
	[tilespmem:$0x1FD00] =	vst v63  }
0x44: {  	_ =	swait.ge [sflag:s20], $0x80  }
0x45: {  	[sflag:s20] =	ssyncset.done $0x0  }
0x46: {  	[sflag:s20] =	ssyncadd.s32 $0xFFFFFF80  }
0x47: {  	[tilespmem:s22], [sflag:$0x1] =	stream.indirect.gather [hbm4b:s5+s21], $0x80, s26, s21, $0xb8;
	[tilespmem:$0x1FD00] =	vst v63  }
0x48: {  	_ = 	snop  }
0x49: {  	[tilespmem:s23], [sflag:$0x2] =	stream.indirect.gather [hbm4b:s5+s21], $0x80, s21, s21, $0xb8;
	[tilespmem:$0x1FD00] =	vst v63  }
0x4a: {  	_ =	swait.ge [sflag:s24], $0x4000  }
0x4b: {  	[sflag:s24] =	ssyncset.done $0x0  }
0x4c: {  	[sflag:s24] =	ssyncadd.s32 $0xFFFFC000  }
0x4d: {  	_ =	swait.ge [sflag:s25], $0x4000  }
0x4e: {  	[sflag:s25] =	ssyncset.done $0x0  }
0x4f: {  	s3 =	simm.s32 $0x0;
	[sflag:s25] =	ssyncadd.s32 $0xFFFFC000  }
0x50: {  	v5 =	vld [tilespmem:s3+$0x140]  }
0x51: {  	v6 =	vld [tilespmem:s3+$0x4150];
	_ =	sdelay $0x4  }
0x52: {  	s0 =	simm.s32 $0x80;
	v5 =	vadd.f32 v6, v5  }
0x53: {  	v8 =	vld [tilespmem:s0+$0x4150]  }
0x54: {  	v6 =	vld [tilespmem:s0+$0x140];
	v7 =	vmul.f32 $2.000000030e-01, v5;
	_ =	sdelay $0x1  }
0x55: {  	s31 =	simm.s32 $0x100;
	v5 =	vmax.f32 v5, v7  }
0x56: {  	v9 =	vld [tilespmem:s31+$0x4150];
	v5 =	vmul.f32 $1.442695020e+00, v5  }
0x57: {  	v7 =	vld [tilespmem:s31+$0x140]  }
0x58: {  	(erf) = vpow2.f32 v5;
	v5 =	vadd.f32 v8, v6;
	_ =	sdelay $0x1  }
0x59: {  	v10 =	vmul.f32 $2.000000030e-01, v5  }
0x5a: {  	s30 =	simm.s32 $0x180  }
0x5b: {  	v11 =	vld [tilespmem:s30+$0x4150];
	v7 =	vadd.f32 v9, v7;
	v5 =	vmax.f32 v5, v10  }
0x5c: {  	v6 =	vld [tilespmem:s30+$0x140];
	v10 =	vmul.f32 $1.442695020e+00, v5  }
0x5d: {  	v17 =	vld [tilespmem:s3+$0x120];
	v12 =	vmul.f32 $2.000000030e-01, v7  }
0x5e: {  	v13 =	vld [tilespmem:s3+$0x110];
	(erf) = vpow2.f32 v10  }
0x5f: {  	v8 =	vld [tilespmem:s3+$0x130];
	v10 =	vmax.f32 v7, v12  }
0x60: {  	s29 =	simm.s32 $0x200;
	v9 =	vld [tilespmem:s3+$0x100];
	v10 =	vmul.f32 $1.442695020e+00, v10  }
0x61: {  	v5 =	vld [tilespmem:s29+$0x140];
	v14 =	vadd.f32 v11, v6  }
0x62: {  	v7 =	vld [tilespmem:s29+$0x4150];
	v18 =	vpop (erf);
	(erf) = vpow2.f32 v10  }
0x63: {  	v6 =	vld [tilespmem:s0+$0x130];
	v16 =	vmul.f32 $2.000000030e-01, v14;
	v19 =	vperm.xlane v18, v3  }
0x64: {  	v11 =	vld [tilespmem:s0+$0x120];
	v12 =	vperm.xlane v18, v4;
	v15 =	vperm.xlane v18, v1  }
0x65: {  	s13 =	simm.s32 $0xA00;
	v14 =	vmax.f32 v14, v16;
	v10 =	vld [tilespmem:s0+$0x110];
	v16 =	vperm.xlane v18, v2;
	[tilespmem:s3+$0x8140] =	vst v18;
	v17 =	vmul.f32 v17, v19  }
.LBB2_5:
0x66: {  	s14 =	sshra.s32 s13, $0x2;
	p0 =	sne.s32 s13, $0xFE00;
	s13 =	sadd.s32 $0x200, s13;
	v15 =	vmul.f32 v9, v15;
	v9 =	vld [tilespmem:s0+$0x100];
	v18 =	vmul.f32 v8, v12  }
.Ltmp1:
0x67: {  	v19 =	vadd.f32 v7, v5;
	v5 =	vld [tilespmem:s14+$0x140];
	v20 =	vpop (erf);
	v22 =	vmul.f32 v13, v16;
	[tilespmem:s3+$0x8120] =	vst v17;
	(pc) =	sbr.rel @p0 .LBB2_5-.Ltmp1, $4  }
0x68: {  	v14 =	vmul.f32 $1.442695020e+00, v14;
	v7 =	vld [tilespmem:s14+$0x4150];
	v12 =	vperm.xlane v20, v4;
	[tilespmem:s3+$0x8100] =	vst v15;
	v8 =	vmov v6  }
0x69: {  	v17 =	vperm.xlane v20, v3;
	v16 =	vmul.f32 $2.000000030e-01, v19;
	v6 =	vld [tilespmem:s31+$0x130];
	[tilespmem:s3+$0x8110] =	vst v22;
	v21 =	vmov v11  }
0x6a: {  	v15 =	vperm.xlane v20, v1;
	(erf) = vpow2.f32 v14;
	v11 =	vld [tilespmem:s31+$0x120];
	[tilespmem:s3+$0x8130] =	vst v18;
	v13 =	vmov v10;
	s3 =	smov.u32 s0;
	s0 =	smov.u32 s31;
	s31 =	smov.u32 s30  }
0x6b: {  	v17 =	vmul.f32 v21, v17;
	s30 =	smov.u32 s29;
	s29 =	smov.u32 s14;
	v14 =	vmax.f32 v19, v16;
	v10 =	vld [tilespmem:s0+$0x110];
	v16 =	vperm.xlane v20, v2;
	[tilespmem:s3+$0x8140] =	vst v20  }
0x6c: {  	_ = 	snop  }
0x6d: {  	v18 =	vld [tilespmem:s0+$0x100];
	v9 =	vmul.f32 v9, v15;
	v8 =	vmul.f32 v8, v12;
	v44 =	vpop (erf)  }
0x6e: {  	[tilespmem:s3+$0x8120] =	vst v17;
	v13 =	vmul.f32 v13, v16;
	v45 =	vperm.xlane v44, v3;
	v5 =	vadd.f32 v7, v5  }
0x6f: {  	v46 =	vperm.xlane v44, v1;
	v7 =	vmul.f32 $1.442695020e+00, v14;
	[tilespmem:s3+$0x8100] =	vst v9  }
0x70: {  	v48 =	vperm.xlane v44, v2;
	v9 =	vld [tilespmem:s31+$0x130];
	[tilespmem:s3+$0x8110] =	vst v13;
	v50 =	vmul.f32 $2.000000030e-01, v5  }
0x71: {  	v49 =	vperm.xlane v44, v4;
	v11 =	vmul.f32 v11, v45;
	v13 =	vld [tilespmem:s31+$0x120];
	[tilespmem:s3+$0x8130] =	vst v8  }
0x72: {  	(erf) = vpow2.f32 v7;
	v47 =	vld [tilespmem:s31+$0x110];
	[tilespmem:s0+$0x8140] =	vst v44;
	v8 =	vmul.f32 v18, v46;
	v5 =	vmax.f32 v5, v50  }
0x73: {  	v10 =	vmul.f32 v10, v48;
	v17 =	vld [tilespmem:s31+$0x100];
	[tilespmem:s0+$0x8120] =	vst v11;
	v5 =	vmul.f32 $1.442695020e+00, v5;
	v7 =	vpop (erf)  }
0x74: {  	v6 =	vmul.f32 v6, v49;
	[tilespmem:s0+$0x8100] =	vst v8;
	v52 =	vperm.xlane v7, v3  }
0x75: {  	v8 =	vld [tilespmem:s30+$0x130];
	[tilespmem:s0+$0x8110] =	vst v10;
	v54 =	vperm.xlane v7, v2;
	(erf) = vpow2.f32 v5  }
0x76: {  	v5 =	vperm.xlane v7, v4;
	v51 =	vld [tilespmem:s30+$0x120];
	[tilespmem:s0+$0x8130] =	vst v6;
	v6 =	vperm.xlane v7, v1  }
0x77: {  	v53 =	vld [tilespmem:s30+$0x110];
	v12 =	vmul.f32 v13, v52;
	[tilespmem:s31+$0x8140] =	vst v7;
	v7 =	vmul.f32 v47, v54  }
0x78: {  	v6 =	vmul.f32 v17, v6  }
0x79: {  	v55 =	vld [tilespmem:s30+$0x100];
	[tilespmem:s31+$0x8120] =	vst v12  }
0x7a: {  	[tilespmem:s31+$0x8100] =	vst v6  }
0x7b: {  	v5 =	vmul.f32 v9, v5;
	v6 =	vld [tilespmem:s29+$0x130];
	[tilespmem:s31+$0x8110] =	vst v7;
	v7 =	vpop (erf)  }
0x7c: {  	v57 =	vperm.xlane v7, v3  }
0x7d: {  	v56 =	vld [tilespmem:s29+$0x120];
	[tilespmem:s31+$0x8130] =	vst v5;
	v5 =	vperm.xlane v7, v1  }
0x7e: {  	v59 =	vperm.xlane v7, v2;
	v58 =	vld [tilespmem:s29+$0x110];
	[tilespmem:s30+$0x8140] =	vst v7;
	v11 =	vmul.f32 v51, v57  }
0x7f: {  	v7 =	vperm.xlane v7, v4;
	v60 =	vld [tilespmem:s29+$0x100];
	v5 =	vmul.f32 v55, v5  }
0x80: {  	v61 =	vpop (erf);
	v10 =	vmul.f32 v53, v59;
	[tilespmem:s30+$0x8120] =	vst v11  }
0x81: {  	v7 =	vmul.f32 v8, v7;
	[tilespmem:s30+$0x8100] =	vst v5;
	v5 =	vperm.xlane v61, v3  }
0x82: {  	v62 =	vperm.xlane v61, v1;
	[tilespmem:s30+$0x8110] =	vst v10  }
0x83: {  	[tilespmem:s30+$0x8130] =	vst v7;
	v7 =	vperm.xlane v61, v2;
	v5 =	vmul.f32 v56, v5  }
0x84: {  	v63 =	vperm.xlane v61, v4;
	[tilespmem:s29+$0x8140] =	vst v61;
	v8 =	vmul.f32 v60, v62  }
0x85: {  	v7 =	vmul.f32 v58, v7;
	[tilespmem:s29+$0x8120] =	vst v5  }
0x86: {  	s28 =	sadd.s32 $0x1, s28;
	v5 =	vmul.f32 v6, v63;
	[tilespmem:s29+$0x8100] =	vst v8  }
0x87: {  	p0 =	sne.s32 s28, $0x4F;
	[tilespmem:s29+$0x8110] =	vst v7  }
.Ltmp2:
0x88: {  	[tilespmem:s29+$0x8130] =	vst v5;
	(pc) =	sbr.rel @p0 .LBB2_4-.Ltmp2, $4  }
0x89: {  	[spmem:s2] =	stream.indirect.scatter.add.f32 [tilespmem:s19], [sflag:$0x3], $0x80, s21, s21, $0xb8;
	[tilespmem:$0x1FD00] =	vst v63  }
0x8a: {  	_ =	swait.ge [sflag:s20], $0x4000  }
0x8b: {  	[sflag:s20] =	ssyncset.done $0x0  }
0x8c: {  	[sflag:s20] =	ssyncadd.s32 $0xFFFFC000  }
0x8d: {  	s0 =	stileid.u32  }
0x8e: {  	[bflag:$0x0] =	sbarrier.arrive $0xFFFF;
	s0 =	sshll.u32 s0, $0x6  }
0x8f: {  	s3 =	sshrl.u32 s7, $0x3;
	s13 =	rddreg [dreg:$0x4];
	s0 =	sor.u32 $0x1C03, s0  }
0x90: {  	[hbm:s13], [sflag:s0] =	dma.local [spmem:s3], $0x800  }
0x91: {  	_ =	swait.ge [sflag:s20], $0x800  }
0x92: {  	[sflag:s20] =	ssyncset.done $0x0  }
0x93: {  	s14 =	sshrl.u32 s8, $0x3;
	s28 =	rddreg [dreg:$0x5];
	[sflag:s20] =	ssyncadd.s32 $0xFFFFF800  }
0x94: {  	[hbm:s28], [sflag:s0] =	dma.local [spmem:s14], $0x800  }
0x95: {  	_ =	swait.ge [sflag:s20], $0x800  }
0x96: {  	[sflag:s20] =	ssyncset.done $0x0  }
0x97: {  	s29 =	sshrl.u32 s9, $0x3;
	[sflag:s20] =	ssyncadd.s32 $0xFFFFF800  }
0x98: {  	[hbm:s15], [sflag:s0] =	dma.local [spmem:s29], $0x800  }
0x99: {  	_ =	swait.ge [sflag:s20], $0x800  }
0x9a: {  	[sflag:s20] =	ssyncset.done $0x0  }
0x9b: {  	s30 =	sshrl.u32 s10, $0x3;
	[sflag:s20] =	ssyncadd.s32 $0xFFFFF800  }
0x9c: {  	[hbm:s16], [sflag:s0] =	dma.local [spmem:s30], $0x800  }
0x9d: {  	s4 =	sadd.s32 $0x1, s4;
	_ =	swait.ge [sflag:s20], $0x800  }
0x9e: {  	p0 =	sne.s32 s4, s18;
	[sflag:s20] =	ssyncset.done $0x0  }
.Ltmp3:
0x9f: {  	s31 =	sshrl.u32 s11, $0x3;
	[sflag:s20] =	ssyncadd.s32 $0xFFFFF800;
	(pc) =	sbr.rel @p0 .LBB2_1-.Ltmp3, $4  }
0xa0: {  	[hbm:s17], [sflag:s0] =	dma.local [spmem:s31], $0x780  }
0xa1: {  	_ =	swait.ge [sflag:s20], $0x780  }
0xa2: {  	[sflag:s20] =	ssyncset.done $0x0  }
0xa3: {  	[sflag:s20] =	ssyncadd.s32 $0xFFFFF880  }
0xa4: {  	_ =	sfence.sel $0x180000  }
0xa5: {  	[bflag:$0x0] =	sbarrier.arrive $0xFFFF  }
0xa6: {  	_ =	strace $0x90000047  }
0xa7: {  	s0 =	stileid.u32;
	[bflag:$0x2] =	sbarrier.arrive $0xFFFF  }
0xa8: {  	p0 =	sne.s32 s0, $0x0;
	s0 =	rddreg [dreg:$0x3]  }
0xa9: {  	s0 =	sadd.s32 @!p0 $0x100000, s0  }
0xaa: {  	[sflag:s0] =	ssyncadd.tile.s32 @!p0 $0x1;
	_ =	shalt  }
.Lfunc_end2:
_tile_overlayer_lowered:
.L_overlay_start_2:
0xab: {  	(tag) =	ssettag $0x2  }
0xac: {  	s0 =	rddreg [dreg:$0x0];
	s2 =	stileid.u32  }
0xad: {  	s1 =	rddreg [dreg:$0x1];
	p0 =	sne.s32 s2, $0x0  }
0xae: {  	s3 =	rddreg [dreg:$0x2];
	[bflag:$0x3] =	sbarrier.arrive $0xFFFF;
	s2 =	simm.s32 @!p0 $0x1C03  }
0xaf: {  	[timem:s3], [sflag:s2] =	dma.local @!p0 [hbm:s0], s1  }
0xb0: {  	s0 =	simm.s32 @!p0 $0x3  }
0xb1: {  	_ =	swait.ge @!p0 [sflag:s0], s1  }
0xb2: {  	s1 =	ssub.s32 @!p0 $0x0, s1;
	[sflag:s0] =	ssyncset.done @!p0 $0x0  }
0xb3: {  	[sflag:s0] =	ssyncadd.s32 @!p0 s1  }
0xb4: {  	[bflag:$0x3] =	sbarrier.arrive $0xFFFF  }
0xb5: {  	_ =	shalt  }

</sc_bundles>
